<compile_context>
chip_gen: v7x
topology: tpu7x:2x2x1
jax: 0.10.2.dev20260603
libtpu: 0.0.44.dev20260713+nightly
codegen_flags: <defaults>
</compile_context>

<pallas_src>
import jax
import jax.numpy as jnp
from jax import lax
from jax.experimental import pallas as pl
from jax.experimental.pallas import tpu as pltpu
from jax.experimental.pallas import tpu_sc as plsc

_N = 16384
_NC = 2
_NS = 16
_NW = _NC * _NS
_RPW = _N // _NW
_L = 16
_CHUNKS = _RPW // _L

_SP = 176
_LP = 464


def _sc_body(x_hbm, y_hbm, ep_hbm, es_hbm, el_hbm, wp_hbm, wst_hbm,
             wpl_hbm, wn_hbm, wy_hbm, by_hbm, out_hbm,
             xb, yv, ov, epv, esv, elv, wv, tP, tSa, tSb, tSc, tL,
             sem_small, sem_big):
    wid = lax.axis_index("s") * _NC + lax.axis_index("c")
    base = wid * _RPW

    big = [
        pltpu.async_copy(x_hbm.at[pl.ds(base * 12, _RPW * 12)], xb, sem_big),
        pltpu.async_copy(y_hbm.at[pl.ds(base, _RPW)], yv, sem_big),
    ]
    small = [
        pltpu.async_copy(ep_hbm, epv.at[pl.ds(0, 8)], sem_small),
        pltpu.async_copy(es_hbm, esv.at[pl.ds(0, 486)], sem_small),
        pltpu.async_copy(el_hbm, elv.at[pl.ds(0, 1380)], sem_small),
        pltpu.async_copy(wp_hbm, wv.at[pl.ds(0, 2)], sem_small),
        pltpu.async_copy(wst_hbm, wv.at[pl.ds(16, 9)], sem_small),
        pltpu.async_copy(wpl_hbm, wv.at[pl.ds(32, 3)], sem_small),
        pltpu.async_copy(wn_hbm, wv.at[pl.ds(48, 7)], sem_small),
        pltpu.async_copy(wy_hbm, wv.at[pl.ds(64, 1)], sem_small),
        pltpu.async_copy(by_hbm, wv.at[pl.ds(80, 1)], sem_small),
    ]
    for c in small:
        c.wait()

    wpv = wv[pl.ds(0, _L)]
    wstv = wv[pl.ds(16, _L)]
    wplv = wv[pl.ds(32, _L)]
    wnv = wv[pl.ds(48, _L)]
    wyv = wv[pl.ds(64, _L)]
    byv = wv[pl.ds(80, _L)]

    lanes = lax.iota(jnp.int32, _L)

    pk = lanes * 2
    tP[...] = (plsc.load_gather(epv, [pk]) * wpv[0]
               + plsc.load_gather(epv, [pk + 1]) * wpv[1])

    @plsc.parallel_loop(0, _SP, step=_L)
    def _station_proj(i):
        sl = pl.ds(i, _L)
        b = (lanes + i) * 3
        e0 = plsc.load_gather(esv, [b])
        e1 = plsc.load_gather(esv, [b + 1])
        e2 = plsc.load_gather(esv, [b + 2])
        tSa[sl] = e0 * wstv[0] + e1 * wstv[1] + e2 * wstv[2]
        tSb[sl] = e0 * wstv[3] + e1 * wstv[4] + e2 * wstv[5]
        tSc[sl] = e0 * wstv[6] + e1 * wstv[7] + e2 * wstv[8]

    @plsc.parallel_loop(0, _LP, step=_L)
    def _platform_proj(i):
        b = (lanes + i) * 3
        tL[pl.ds(i, _L)] = (plsc.load_gather(elv, [b]) * wplv[0]
                            + plsc.load_gather(elv, [b + 1]) * wplv[1]
                            + plsc.load_gather(elv, [b + 2]) * wplv[2])

    for c in big:
        c.wait()

    @plsc.parallel_loop(0, _RPW, step=_L, unroll=2)
    def _rows(i):
        rbase = (lanes + i) * 12

        def col(c):
            return plsc.load_gather(xb, [rbase + c])

        acc = plsc.load_gather(tP, [col(0).astype(jnp.int32)])
        acc = acc + plsc.load_gather(tSa, [col(1).astype(jnp.int32)])
        acc = acc + plsc.load_gather(tSb, [col(2).astype(jnp.int32)])
        acc = acc + plsc.load_gather(tSc, [col(3).astype(jnp.int32)])
        acc = acc + plsc.load_gather(tL, [col(4).astype(jnp.int32)])
        for c in range(7):
            acc = acc + col(5 + c) * wnv[c]
        acc = acc + yv[pl.ds(i, _L)] * wyv[0] + byv[0]
        ov[pl.ds(i, _L)] = acc

    pltpu.sync_copy(ov, out_hbm.at[pl.ds(base, _RPW)])


@jax.jit
def _run(x, yf, ep, es, el, wp, wst, wpl, wn, wy, by):
    mesh = plsc.VectorSubcoreMesh(core_axis_name="c", subcore_axis_name="s",
                                  num_cores=_NC, num_subcores=_NS)
    f = pl.kernel(
        _sc_body,
        out_type=jax.ShapeDtypeStruct((_N,), jnp.float32),
        mesh=mesh,
        compiler_params=pltpu.CompilerParams(needs_layout_passes=False,
                                             skip_device_barrier=True),
        scratch_types=[
            pltpu.VMEM((_RPW * 12,), jnp.float32),
            pltpu.VMEM((_RPW,), jnp.float32),
            pltpu.VMEM((_RPW,), jnp.float32),
            pltpu.VMEM((32,), jnp.float32),
            pltpu.VMEM((3 * _SP,), jnp.float32),
            pltpu.VMEM((3 * _LP,), jnp.float32),
            pltpu.VMEM((96,), jnp.float32),
            pltpu.VMEM((_L,), jnp.float32),
            pltpu.VMEM((_SP,), jnp.float32),
            pltpu.VMEM((_SP,), jnp.float32),
            pltpu.VMEM((_SP,), jnp.float32),
            pltpu.VMEM((_LP,), jnp.float32),
            pltpu.SemaphoreType.DMA,
            pltpu.SemaphoreType.DMA,
        ],
    )
    return f(x, yf, ep, es, el, wp, wst, wpl, wn, wy, by)


def kernel(x, y, emb_period, emb_stations, emb_platforms, w_period,
           w_stations, w_platforms, w_n, w_y, b_y):
    if x.ndim == 1:
        x = x.reshape(1, -1)
    out = _run(x.reshape(-1), y.reshape(-1),
               emb_period.reshape(-1), emb_stations.reshape(-1),
               emb_platforms.reshape(-1),
               w_period.reshape(-1), w_stations.reshape(-1),
               w_platforms.reshape(-1), w_n.reshape(-1),
               w_y.reshape(-1), b_y.reshape(-1))
    return out.reshape(-1, 1)

# --- scband reference (transcript-rebuilt; emitter-appended) ---
"""Pipeline reference for scband-base-learner-train-31318901523015 (READ-ONLY COPY).

The authoritative reference and input builder live on the scoring server;
editing this copy changes nothing except your own understanding.
"""

import jax, jax.numpy as jnp
import numpy as np

N = 16384

def setup_inputs(seed: int = 0) -> dict:
    key = jax.random.key(seed)
    ks = jax.random.split(key, 14)
    idx_period = jax.random.randint(ks[0], (N, 1), 0, 4)
    idx_stations = jax.random.randint(ks[1], (N, 3), 0, 162)
    idx_platform = jax.random.randint(ks[2], (N, 1), 0, 460)
    cont = jax.random.normal(ks[3], (N, 7), dtype=jnp.float32)
    x = jnp.concatenate([
        idx_period.astype(jnp.float32),
        idx_stations.astype(jnp.float32),
        idx_platform.astype(jnp.float32),
        cont,
    ], axis=1)
    y = jax.random.normal(ks[4], (N, 1), dtype=jnp.float32)
    emb_period = jax.random.normal(ks[5], (4, 2), dtype=jnp.float32)
    emb_stations = jax.random.normal(ks[6], (162, 3), dtype=jnp.float32)
    emb_platforms = jax.random.normal(ks[7], (460, 3), dtype=jnp.float32)
    w_period = jax.random.normal(ks[8], (1, 2), dtype=jnp.float32)
    w_stations = jax.random.normal(ks[9], (1, 9), dtype=jnp.float32)
    w_platforms = jax.random.normal(ks[10], (1, 3), dtype=jnp.float32)
    w_n = jax.random.normal(ks[11], (1, 7), dtype=jnp.float32)
    w_y = jax.random.normal(ks[12], (1, 1), dtype=jnp.float32)
    b_y = jnp.zeros((1,), dtype=jnp.float32)
    return {
        'x': x, 'y': y,
        'emb_period': emb_period, 'emb_stations': emb_stations, 'emb_platforms': emb_platforms,
        'w_period': w_period, 'w_stations': w_stations, 'w_platforms': w_platforms,
        'w_n': w_n, 'w_y': w_y, 'b_y': b_y,
    }

def reference(x, y, emb_period, emb_stations, emb_platforms, w_period, w_stations, w_platforms, w_n, w_y, b_y):
    if x.ndim == 1:
        x = x.reshape(1, -1)
    n = x.shape[0]
    i0 = x[:, 0].astype(jnp.int32)
    i1 = x[:, 1:4].astype(jnp.int32)
    i2 = x[:, 4].astype(jnp.int32)
    x1 = jnp.take(emb_period, i0, axis=0).reshape(n, -1) @ w_period.T
    x2 = jnp.take(emb_stations, i1, axis=0).reshape(n, -1) @ w_stations.T
    x3 = jnp.take(emb_platforms, i2, axis=0).reshape(n, -1) @ w_platforms.T
    x4 = x[:, 5:] @ w_n.T
    x5 = y @ w_y.T + b_y
    return x1 + x2 + x3 + x4 + x5

if __name__ == "__main__":
    import jax
    _d = setup_inputs()
    print(jax.jit(kernel)(*tuple(_d.values())))

</pallas_src>

<mosaic_0001>
#map = affine_map<(d0, d1) -> (0)>
module attributes {stable_mosaic.version = 14 : i64} {
  func.func @_sc_body(%arg0: i32, %arg1: i32, %arg2: memref<196608xf32, #tpu.memory_space<hbm>>, %arg3: memref<16384xf32, #tpu.memory_space<hbm>>, %arg4: memref<8xf32, #tpu.memory_space<hbm>>, %arg5: memref<486xf32, #tpu.memory_space<hbm>>, %arg6: memref<1380xf32, #tpu.memory_space<hbm>>, %arg7: memref<2xf32, #tpu.memory_space<hbm>>, %arg8: memref<9xf32, #tpu.memory_space<hbm>>, %arg9: memref<3xf32, #tpu.memory_space<hbm>>, %arg10: memref<7xf32, #tpu.memory_space<hbm>>, %arg11: memref<1xf32, #tpu.memory_space<hbm>>, %arg12: memref<1xf32, #tpu.memory_space<hbm>>, %arg13: memref<16384xf32, #tpu.memory_space<hbm>>, %arg14: memref<6144xf32, #tpu.memory_space<vmem>>, %arg15: memref<512xf32, #tpu.memory_space<vmem>>, %arg16: memref<512xf32, #tpu.memory_space<vmem>>, %arg17: memref<32xf32, #tpu.memory_space<vmem>>, %arg18: memref<528xf32, #tpu.memory_space<vmem>>, %arg19: memref<1392xf32, #tpu.memory_space<vmem>>, %arg20: memref<96xf32, #tpu.memory_space<vmem>>, %arg21: memref<16xf32, #tpu.memory_space<vmem>>, %arg22: memref<176xf32, #tpu.memory_space<vmem>>, %arg23: memref<176xf32, #tpu.memory_space<vmem>>, %arg24: memref<176xf32, #tpu.memory_space<vmem>>, %arg25: memref<464xf32, #tpu.memory_space<vmem>>, %arg26: memref<!tpu.dma_semaphore, #tpu.memory_space<semaphore_mem>>, %arg27: memref<!tpu.dma_semaphore, #tpu.memory_space<semaphore_mem>>) attributes {dimension_semantics = [#tpu.dimension_semantics<core_parallel>, #tpu.dimension_semantics<subcore_parallel>], iteration_bounds = array<i64: 2, 16>, scalar_prefetch = 0 : i64, scratch_operands = 14 : i64, tpu.core_type = #tpu.core_type<sc_vector_subcore>, window_params = [{transform_indices = #map}, {transform_indices = #map}, {transform_indices = #map}, {transform_indices = #map}, {transform_indices = #map}, {transform_indices = #map}, {transform_indices = #map}, {transform_indices = #map}, {transform_indices = #map}, {transform_indices = #map}, {transform_indices = #map}, {transform_indices = #map}]} {
    %mul3A = arith.constant 2 : i32
    %mul3A_0 = arith.muli %arg1, %mul3A : i32
    %add3A = arith.addi %mul3A_0, %arg0 : i32
    %mul3A_1 = arith.constant 512 : i32
    %mul3A_2 = arith.muli %add3A, %mul3A_1 : i32
    %mul3A_3 = arith.constant 12 : i32
    %mul3A_4 = arith.muli %mul3A_2, %mul3A_3 : i32
    %dma_start3A = tpu.memref_slice %arg2[%mul3A_4] : memref<196608xf32, #tpu.memory_space<hbm>> -> memref<6144xf32, #tpu.memory_space<hbm>>
    %dma_start3A_5 = tpu.memref_slice %arg2[%mul3A_4] : memref<196608xf32, #tpu.memory_space<hbm>> -> memref<6144xf32, #tpu.memory_space<hbm>>
    tpu.enqueue_dma source(%dma_start3A_5 : memref<6144xf32, #tpu.memory_space<hbm>>) target(%arg14 : memref<6144xf32, #tpu.memory_space<vmem>>) target_semaphore(%arg27 : memref<!tpu.dma_semaphore, #tpu.memory_space<semaphore_mem>>)
    %dma_start3A_6 = tpu.memref_slice %arg3[%mul3A_2] : memref<16384xf32, #tpu.memory_space<hbm>> -> memref<512xf32, #tpu.memory_space<hbm>>
    %dma_start3A_7 = tpu.memref_slice %arg3[%mul3A_2] : memref<16384xf32, #tpu.memory_space<hbm>> -> memref<512xf32, #tpu.memory_space<hbm>>
    tpu.enqueue_dma source(%dma_start3A_7 : memref<512xf32, #tpu.memory_space<hbm>>) target(%arg15 : memref<512xf32, #tpu.memory_space<vmem>>) target_semaphore(%arg27 : memref<!tpu.dma_semaphore, #tpu.memory_space<semaphore_mem>>)
    %dma_start3A_8 = arith.constant 0 : i32
    %dma_start3A_9 = tpu.memref_slice %arg17[%dma_start3A_8] : memref<32xf32, #tpu.memory_space<vmem>> -> memref<8xf32, #tpu.memory_space<vmem>>
    %dma_start3A_10 = arith.constant 0 : i32
    %dma_start3A_11 = tpu.memref_slice %arg17[%dma_start3A_10] : memref<32xf32, #tpu.memory_space<vmem>> -> memref<8xf32, #tpu.memory_space<vmem>>
    tpu.enqueue_dma source(%arg4 : memref<8xf32, #tpu.memory_space<hbm>>) target(%dma_start3A_11 : memref<8xf32, #tpu.memory_space<vmem>>) target_semaphore(%arg26 : memref<!tpu.dma_semaphore, #tpu.memory_space<semaphore_mem>>)
    %dma_start3A_12 = arith.constant 0 : i32
    %dma_start3A_13 = tpu.memref_slice %arg18[%dma_start3A_12] : memref<528xf32, #tpu.memory_space<vmem>> -> memref<486xf32, #tpu.memory_space<vmem>>
    %dma_start3A_14 = arith.constant 0 : i32
    %dma_start3A_15 = tpu.memref_slice %arg18[%dma_start3A_14] : memref<528xf32, #tpu.memory_space<vmem>> -> memref<486xf32, #tpu.memory_space<vmem>>
    tpu.enqueue_dma source(%arg5 : memref<486xf32, #tpu.memory_space<hbm>>) target(%dma_start3A_15 : memref<486xf32, #tpu.memory_space<vmem>>) target_semaphore(%arg26 : memref<!tpu.dma_semaphore, #tpu.memory_space<semaphore_mem>>)
    %dma_start3A_16 = arith.constant 0 : i32
    %dma_start3A_17 = tpu.memref_slice %arg19[%dma_start3A_16] : memref<1392xf32, #tpu.memory_space<vmem>> -> memref<1380xf32, #tpu.memory_space<vmem>>
    %dma_start3A_18 = arith.constant 0 : i32
    %dma_start3A_19 = tpu.memref_slice %arg19[%dma_start3A_18] : memref<1392xf32, #tpu.memory_space<vmem>> -> memref<1380xf32, #tpu.memory_space<vmem>>
    tpu.enqueue_dma source(%arg6 : memref<1380xf32, #tpu.memory_space<hbm>>) target(%dma_start3A_19 : memref<1380xf32, #tpu.memory_space<vmem>>) target_semaphore(%arg26 : memref<!tpu.dma_semaphore, #tpu.memory_space<semaphore_mem>>)
    %dma_start3A_20 = arith.constant 0 : i32
    %dma_start3A_21 = tpu.memref_slice %arg20[%dma_start3A_20] : memref<96xf32, #tpu.memory_space<vmem>> -> memref<2xf32, #tpu.memory_space<vmem>>
    %dma_start3A_22 = arith.constant 0 : i32
    %dma_start3A_23 = tpu.memref_slice %arg20[%dma_start3A_22] : memref<96xf32, #tpu.memory_space<vmem>> -> memref<2xf32, #tpu.memory_space<vmem>>
    tpu.enqueue_dma source(%arg7 : memref<2xf32, #tpu.memory_space<hbm>>) target(%dma_start3A_23 : memref<2xf32, #tpu.memory_space<vmem>>) target_semaphore(%arg26 : memref<!tpu.dma_semaphore, #tpu.memory_space<semaphore_mem>>)
    %dma_start3A_24 = arith.constant 16 : i32
    %dma_start3A_25 = tpu.memref_slice %arg20[%dma_start3A_24] : memref<96xf32, #tpu.memory_space<vmem>> -> memref<9xf32, #tpu.memory_space<vmem>>
    %dma_start3A_26 = arith.constant 16 : i32
    %dma_start3A_27 = tpu.memref_slice %arg20[%dma_start3A_26] : memref<96xf32, #tpu.memory_space<vmem>> -> memref<9xf32, #tpu.memory_space<vmem>>
    tpu.enqueue_dma source(%arg8 : memref<9xf32, #tpu.memory_space<hbm>>) target(%dma_start3A_27 : memref<9xf32, #tpu.memory_space<vmem>>) target_semaphore(%arg26 : memref<!tpu.dma_semaphore, #tpu.memory_space<semaphore_mem>>)
    %dma_start3A_28 = arith.constant 32 : i32
    %dma_start3A_29 = tpu.memref_slice %arg20[%dma_start3A_28] : memref<96xf32, #tpu.memory_space<vmem>> -> memref<3xf32, #tpu.memory_space<vmem>>
    %dma_start3A_30 = arith.constant 32 : i32
    %dma_start3A_31 = tpu.memref_slice %arg20[%dma_start3A_30] : memref<96xf32, #tpu.memory_space<vmem>> -> memref<3xf32, #tpu.memory_space<vmem>>
    tpu.enqueue_dma source(%arg9 : memref<3xf32, #tpu.memory_space<hbm>>) target(%dma_start3A_31 : memref<3xf32, #tpu.memory_space<vmem>>) target_semaphore(%arg26 : memref<!tpu.dma_semaphore, #tpu.memory_space<semaphore_mem>>)
    %dma_start3A_32 = arith.constant 48 : i32
    %dma_start3A_33 = tpu.memref_slice %arg20[%dma_start3A_32] : memref<96xf32, #tpu.memory_space<vmem>> -> memref<7xf32, #tpu.memory_space<vmem>>
    %dma_start3A_34 = arith.constant 48 : i32
    %dma_start3A_35 = tpu.memref_slice %arg20[%dma_start3A_34] : memref<96xf32, #tpu.memory_space<vmem>> -> memref<7xf32, #tpu.memory_space<vmem>>
    tpu.enqueue_dma source(%arg10 : memref<7xf32, #tpu.memory_space<hbm>>) target(%dma_start3A_35 : memref<7xf32, #tpu.memory_space<vmem>>) target_semaphore(%arg26 : memref<!tpu.dma_semaphore, #tpu.memory_space<semaphore_mem>>)
    %dma_start3A_36 = arith.constant 64 : i32
    %dma_start3A_37 = tpu.memref_slice %arg20[%dma_start3A_36] : memref<96xf32, #tpu.memory_space<vmem>> -> memref<1xf32, #tpu.memory_space<vmem>>
    %dma_start3A_38 = arith.constant 64 : i32
    %dma_start3A_39 = tpu.memref_slice %arg20[%dma_start3A_38] : memref<96xf32, #tpu.memory_space<vmem>> -> memref<1xf32, #tpu.memory_space<vmem>>
    tpu.enqueue_dma source(%arg11 : memref<1xf32, #tpu.memory_space<hbm>>) target(%dma_start3A_39 : memref<1xf32, #tpu.memory_space<vmem>>) target_semaphore(%arg26 : memref<!tpu.dma_semaphore, #tpu.memory_space<semaphore_mem>>)
    %dma_start3A_40 = arith.constant 80 : i32
    %dma_start3A_41 = tpu.memref_slice %arg20[%dma_start3A_40] : memref<96xf32, #tpu.memory_space<vmem>> -> memref<1xf32, #tpu.memory_space<vmem>>
    %dma_start3A_42 = arith.constant 80 : i32
    %dma_start3A_43 = tpu.memref_slice %arg20[%dma_start3A_42] : memref<96xf32, #tpu.memory_space<vmem>> -> memref<1xf32, #tpu.memory_space<vmem>>
    tpu.enqueue_dma source(%arg12 : memref<1xf32, #tpu.memory_space<hbm>>) target(%dma_start3A_43 : memref<1xf32, #tpu.memory_space<vmem>>) target_semaphore(%arg26 : memref<!tpu.dma_semaphore, #tpu.memory_space<semaphore_mem>>)
    %dma_wait3A = arith.constant 0 : i32
    %dma_wait3A_44 = tpu.memref_slice %arg17[%dma_wait3A] : memref<32xf32, #tpu.memory_space<vmem>> -> memref<8xf32, #tpu.memory_space<vmem>>
    %dma_wait3A_45 = arith.constant 0 : i32
    %dma_wait3A_46 = tpu.memref_slice %arg17[%dma_wait3A_45] : memref<32xf32, #tpu.memory_space<vmem>> -> memref<8xf32, #tpu.memory_space<vmem>>
    tpu.wait_dma2 semaphore(%arg26 : memref<!tpu.dma_semaphore, #tpu.memory_space<semaphore_mem>>) src(%arg4 : memref<8xf32, #tpu.memory_space<hbm>>) dst(%dma_wait3A_46 : memref<8xf32, #tpu.memory_space<vmem>>)
    %dma_wait3A_47 = arith.constant 0 : i32
    %dma_wait3A_48 = tpu.memref_slice %arg18[%dma_wait3A_47] : memref<528xf32, #tpu.memory_space<vmem>> -> memref<486xf32, #tpu.memory_space<vmem>>
    %dma_wait3A_49 = arith.constant 0 : i32
    %dma_wait3A_50 = tpu.memref_slice %arg18[%dma_wait3A_49] : memref<528xf32, #tpu.memory_space<vmem>> -> memref<486xf32, #tpu.memory_space<vmem>>
    tpu.wait_dma2 semaphore(%arg26 : memref<!tpu.dma_semaphore, #tpu.memory_space<semaphore_mem>>) src(%arg5 : memref<486xf32, #tpu.memory_space<hbm>>) dst(%dma_wait3A_50 : memref<486xf32, #tpu.memory_space<vmem>>)
    %dma_wait3A_51 = arith.constant 0 : i32
    %dma_wait3A_52 = tpu.memref_slice %arg19[%dma_wait3A_51] : memref<1392xf32, #tpu.memory_space<vmem>> -> memref<1380xf32, #tpu.memory_space<vmem>>
    %dma_wait3A_53 = arith.constant 0 : i32
    %dma_wait3A_54 = tpu.memref_slice %arg19[%dma_wait3A_53] : memref<1392xf32, #tpu.memory_space<vmem>> -> memref<1380xf32, #tpu.memory_space<vmem>>
    tpu.wait_dma2 semaphore(%arg26 : memref<!tpu.dma_semaphore, #tpu.memory_space<semaphore_mem>>) src(%arg6 : memref<1380xf32, #tpu.memory_space<hbm>>) dst(%dma_wait3A_54 : memref<1380xf32, #tpu.memory_space<vmem>>)
    %dma_wait3A_55 = arith.constant 0 : i32
    %dma_wait3A_56 = tpu.memref_slice %arg20[%dma_wait3A_55] : memref<96xf32, #tpu.memory_space<vmem>> -> memref<2xf32, #tpu.memory_space<vmem>>
    %dma_wait3A_57 = arith.constant 0 : i32
    %dma_wait3A_58 = tpu.memref_slice %arg20[%dma_wait3A_57] : memref<96xf32, #tpu.memory_space<vmem>> -> memref<2xf32, #tpu.memory_space<vmem>>
    tpu.wait_dma2 semaphore(%arg26 : memref<!tpu.dma_semaphore, #tpu.memory_space<semaphore_mem>>) src(%arg7 : memref<2xf32, #tpu.memory_space<hbm>>) dst(%dma_wait3A_58 : memref<2xf32, #tpu.memory_space<vmem>>)
    %dma_wait3A_59 = arith.constant 16 : i32
    %dma_wait3A_60 = tpu.memref_slice %arg20[%dma_wait3A_59] : memref<96xf32, #tpu.memory_space<vmem>> -> memref<9xf32, #tpu.memory_space<vmem>>
    %dma_wait3A_61 = arith.constant 16 : i32
    %dma_wait3A_62 = tpu.memref_slice %arg20[%dma_wait3A_61] : memref<96xf32, #tpu.memory_space<vmem>> -> memref<9xf32, #tpu.memory_space<vmem>>
    tpu.wait_dma2 semaphore(%arg26 : memref<!tpu.dma_semaphore, #tpu.memory_space<semaphore_mem>>) src(%arg8 : memref<9xf32, #tpu.memory_space<hbm>>) dst(%dma_wait3A_62 : memref<9xf32, #tpu.memory_space<vmem>>)
    %dma_wait3A_63 = arith.constant 32 : i32
    %dma_wait3A_64 = tpu.memref_slice %arg20[%dma_wait3A_63] : memref<96xf32, #tpu.memory_space<vmem>> -> memref<3xf32, #tpu.memory_space<vmem>>
    %dma_wait3A_65 = arith.constant 32 : i32
    %dma_wait3A_66 = tpu.memref_slice %arg20[%dma_wait3A_65] : memref<96xf32, #tpu.memory_space<vmem>> -> memref<3xf32, #tpu.memory_space<vmem>>
    tpu.wait_dma2 semaphore(%arg26 : memref<!tpu.dma_semaphore, #tpu.memory_space<semaphore_mem>>) src(%arg9 : memref<3xf32, #tpu.memory_space<hbm>>) dst(%dma_wait3A_66 : memref<3xf32, #tpu.memory_space<vmem>>)
    %dma_wait3A_67 = arith.constant 48 : i32
    %dma_wait3A_68 = tpu.memref_slice %arg20[%dma_wait3A_67] : memref<96xf32, #tpu.memory_space<vmem>> -> memref<7xf32, #tpu.memory_space<vmem>>
    %dma_wait3A_69 = arith.constant 48 : i32
    %dma_wait3A_70 = tpu.memref_slice %arg20[%dma_wait3A_69] : memref<96xf32, #tpu.memory_space<vmem>> -> memref<7xf32, #tpu.memory_space<vmem>>
    tpu.wait_dma2 semaphore(%arg26 : memref<!tpu.dma_semaphore, #tpu.memory_space<semaphore_mem>>) src(%arg10 : memref<7xf32, #tpu.memory_space<hbm>>) dst(%dma_wait3A_70 : memref<7xf32, #tpu.memory_space<vmem>>)
    %dma_wait3A_71 = arith.constant 64 : i32
    %dma_wait3A_72 = tpu.memref_slice %arg20[%dma_wait3A_71] : memref<96xf32, #tpu.memory_space<vmem>> -> memref<1xf32, #tpu.memory_space<vmem>>
    %dma_wait3A_73 = arith.constant 64 : i32
    %dma_wait3A_74 = tpu.memref_slice %arg20[%dma_wait3A_73] : memref<96xf32, #tpu.memory_space<vmem>> -> memref<1xf32, #tpu.memory_space<vmem>>
    tpu.wait_dma2 semaphore(%arg26 : memref<!tpu.dma_semaphore, #tpu.memory_space<semaphore_mem>>) src(%arg11 : memref<1xf32, #tpu.memory_space<hbm>>) dst(%dma_wait3A_74 : memref<1xf32, #tpu.memory_space<vmem>>)
    %dma_wait3A_75 = arith.constant 80 : i32
    %dma_wait3A_76 = tpu.memref_slice %arg20[%dma_wait3A_75] : memref<96xf32, #tpu.memory_space<vmem>> -> memref<1xf32, #tpu.memory_space<vmem>>
    %dma_wait3A_77 = arith.constant 80 : i32
    %dma_wait3A_78 = tpu.memref_slice %arg20[%dma_wait3A_77] : memref<96xf32, #tpu.memory_space<vmem>> -> memref<1xf32, #tpu.memory_space<vmem>>
    tpu.wait_dma2 semaphore(%arg26 : memref<!tpu.dma_semaphore, #tpu.memory_space<semaphore_mem>>) src(%arg12 : memref<1xf32, #tpu.memory_space<hbm>>) dst(%dma_wait3A_78 : memref<1xf32, #tpu.memory_space<vmem>>)
    %get3A = arith.constant 0 : index
    %get3A_79 = tpu.vector_load %arg20[%get3A] {strides = array<i32>} : memref<96xf32, #tpu.memory_space<vmem>>, vector<16xf32>,
    %get3A_80 = arith.constant 16 : index
    %get3A_81 = tpu.vector_load %arg20[%get3A_80] {strides = array<i32>} : memref<96xf32, #tpu.memory_space<vmem>>, vector<16xf32>,
    %get3A_82 = arith.constant 32 : index
    %get3A_83 = tpu.vector_load %arg20[%get3A_82] {strides = array<i32>} : memref<96xf32, #tpu.memory_space<vmem>>, vector<16xf32>,
    %get3A_84 = arith.constant 48 : index
    %get3A_85 = tpu.vector_load %arg20[%get3A_84] {strides = array<i32>} : memref<96xf32, #tpu.memory_space<vmem>>, vector<16xf32>,
    %get3A_86 = arith.constant 64 : index
    %get3A_87 = tpu.vector_load %arg20[%get3A_86] {strides = array<i32>} : memref<96xf32, #tpu.memory_space<vmem>>, vector<16xf32>,
    %get3A_88 = arith.constant 80 : index
    %get3A_89 = tpu.vector_load %arg20[%get3A_88] {strides = array<i32>} : memref<96xf32, #tpu.memory_space<vmem>>, vector<16xf32>,
    %iota3A = tpu.iota {dimensions = array<i32: 0>} : vector<16xi32>
    %mul3A_90 = arith.constant 2 : i32
    %mul3A_91 = vector.broadcast %mul3A_90 : i32 to vector<16xi32>
    %mul3A_92 = arith.muli %iota3A, %mul3A_91 : vector<16xi32>
    %gather3A = tpu.vector_load_idx %arg17[%mul3A_92] : memref<32xf32, #tpu.memory_space<vmem>>[vector<16xi32>], vector<16xf32>,
    %slice3A = vector.extract_strided_slice %get3A_79 {offsets = [0], sizes = [1], strides = [1]} : vector<16xf32> to vector<1xf32>
    %squeeze3A = vector.extract %slice3A[0] : f32 from vector<1xf32>
    %mul3A_93 = vector.broadcast %squeeze3A : f32 to vector<16xf32>
    %mul3A_94 = arith.mulf %gather3A, %mul3A_93 : vector<16xf32>
    %add3A_95 = arith.constant 1 : i32
    %add3A_96 = vector.broadcast %add3A_95 : i32 to vector<16xi32>
    %add3A_97 = arith.addi %mul3A_92, %add3A_96 : vector<16xi32>
    %gather3A_98 = tpu.vector_load_idx %arg17[%add3A_97] : memref<32xf32, #tpu.memory_space<vmem>>[vector<16xi32>], vector<16xf32>,
    %slice3A_99 = vector.extract_strided_slice %get3A_79 {offsets = [1], sizes = [1], strides = [1]} : vector<16xf32> to vector<1xf32>
    %squeeze3A_100 = vector.extract %slice3A_99[0] : f32 from vector<1xf32>
    %mul3A_101 = vector.broadcast %squeeze3A_100 : f32 to vector<16xf32>
    %mul3A_102 = arith.mulf %gather3A_98, %mul3A_101 : vector<16xf32>
    %add3A_103 = arith.addf %mul3A_94, %mul3A_102 : vector<16xf32>
    %swap3A = arith.constant 0 : index
    %swap3A_104 = tpu.vector_load %arg21[%swap3A] {strides = array<i32>} : memref<16xf32, #tpu.memory_space<vmem>>, vector<16xf32>,
    tpu.vector_store %arg21[%swap3A], %add3A_103 {strides = array<i32>} : memref<16xf32, #tpu.memory_space<vmem>>, vector<16xf32>,
    %parallel_loop3A = arith.constant 0 : i32
    %parallel_loop3A_105 = arith.constant 176 : i32
    %parallel_loop3A_106 = arith.constant 16 : i32
    scf.for %parallel_loop3A_117 = %parallel_loop3A to %parallel_loop3A_105 step %parallel_loop3A_106  : i32 {
      %parallel_loop3A_118 = vector.broadcast %parallel_loop3A_117 : i32 to vector<16xi32>
      %parallel_loop3A_119 = arith.addi %iota3A, %parallel_loop3A_118 : vector<16xi32>
      %parallel_loop3A_120 = arith.constant 3 : i32
      %parallel_loop3A_121 = vector.broadcast %parallel_loop3A_120 : i32 to vector<16xi32>
      %parallel_loop3A_122 = arith.muli %parallel_loop3A_119, %parallel_loop3A_121 : vector<16xi32>
      %parallel_loop3A_123 = tpu.vector_load_idx %arg18[%parallel_loop3A_122] : memref<528xf32, #tpu.memory_space<vmem>>[vector<16xi32>], vector<16xf32>,
      %parallel_loop3A_124 = arith.constant 1 : i32
      %parallel_loop3A_125 = vector.broadcast %parallel_loop3A_124 : i32 to vector<16xi32>
      %parallel_loop3A_126 = arith.addi %parallel_loop3A_122, %parallel_loop3A_125 : vector<16xi32>
      %parallel_loop3A_127 = tpu.vector_load_idx %arg18[%parallel_loop3A_126] : memref<528xf32, #tpu.memory_space<vmem>>[vector<16xi32>], vector<16xf32>,
      %parallel_loop3A_128 = arith.constant 2 : i32
      %parallel_loop3A_129 = vector.broadcast %parallel_loop3A_128 : i32 to vector<16xi32>
      %parallel_loop3A_130 = arith.addi %parallel_loop3A_122, %parallel_loop3A_129 : vector<16xi32>
      %parallel_loop3A_131 = tpu.vector_load_idx %arg18[%parallel_loop3A_130] : memref<528xf32, #tpu.memory_space<vmem>>[vector<16xi32>], vector<16xf32>,
      %parallel_loop3A_132 = vector.extract_strided_slice %get3A_81 {offsets = [0], sizes = [1], strides = [1]} : vector<16xf32> to vector<1xf32>
      %parallel_loop3A_133 = vector.extract %parallel_loop3A_132[0] : f32 from vector<1xf32>
      %parallel_loop3A_134 = vector.broadcast %parallel_loop3A_133 : f32 to vector<16xf32>
      %parallel_loop3A_135 = arith.mulf %parallel_loop3A_123, %parallel_loop3A_134 : vector<16xf32>
      %parallel_loop3A_136 = vector.extract_strided_slice %get3A_81 {offsets = [1], sizes = [1], strides = [1]} : vector<16xf32> to vector<1xf32>
      %parallel_loop3A_137 = vector.extract %parallel_loop3A_136[0] : f32 from vector<1xf32>
      %parallel_loop3A_138 = vector.broadcast %parallel_loop3A_137 : f32 to vector<16xf32>
      %parallel_loop3A_139 = arith.mulf %parallel_loop3A_127, %parallel_loop3A_138 : vector<16xf32>
      %parallel_loop3A_140 = arith.addf %parallel_loop3A_135, %parallel_loop3A_139 : vector<16xf32>
      %parallel_loop3A_141 = vector.extract_strided_slice %get3A_81 {offsets = [2], sizes = [1], strides = [1]} : vector<16xf32> to vector<1xf32>
      %parallel_loop3A_142 = vector.extract %parallel_loop3A_141[0] : f32 from vector<1xf32>
      %parallel_loop3A_143 = vector.broadcast %parallel_loop3A_142 : f32 to vector<16xf32>
      %parallel_loop3A_144 = arith.mulf %parallel_loop3A_131, %parallel_loop3A_143 : vector<16xf32>
      %parallel_loop3A_145 = arith.addf %parallel_loop3A_140, %parallel_loop3A_144 : vector<16xf32>
      %parallel_loop3A_146 = arith.index_cast %parallel_loop3A_117 : i32 to index
      %parallel_loop3A_147 = tpu.vector_load %arg22[%parallel_loop3A_146] {strides = array<i32>} : memref<176xf32, #tpu.memory_space<vmem>>, vector<16xf32>,
      tpu.vector_store %arg22[%parallel_loop3A_146], %parallel_loop3A_145 {strides = array<i32>} : memref<176xf32, #tpu.memory_space<vmem>>, vector<16xf32>,
      %parallel_loop3A_148 = vector.extract_strided_slice %get3A_81 {offsets = [3], sizes = [1], strides = [1]} : vector<16xf32> to vector<1xf32>
      %parallel_loop3A_149 = vector.extract %parallel_loop3A_148[0] : f32 from vector<1xf32>
      %parallel_loop3A_150 = vector.broadcast %parallel_loop3A_149 : f32 to vector<16xf32>
      %parallel_loop3A_151 = arith.mulf %parallel_loop3A_123, %parallel_loop3A_150 : vector<16xf32>
      %parallel_loop3A_152 = vector.extract_strided_slice %get3A_81 {offsets = [4], sizes = [1], strides = [1]} : vector<16xf32> to vector<1xf32>
      %parallel_loop3A_153 = vector.extract %parallel_loop3A_152[0] : f32 from vector<1xf32>
      %parallel_loop3A_154 = vector.broadcast %parallel_loop3A_153 : f32 to vector<16xf32>
      %parallel_loop3A_155 = arith.mulf %parallel_loop3A_127, %parallel_loop3A_154 : vector<16xf32>
      %parallel_loop3A_156 = arith.addf %parallel_loop3A_151, %parallel_loop3A_155 : vector<16xf32>
      %parallel_loop3A_157 = vector.extract_strided_slice %get3A_81 {offsets = [5], sizes = [1], strides = [1]} : vector<16xf32> to vector<1xf32>
      %parallel_loop3A_158 = vector.extract %parallel_loop3A_157[0] : f32 from vector<1xf32>
      %parallel_loop3A_159 = vector.broadcast %parallel_loop3A_158 : f32 to vector<16xf32>
      %parallel_loop3A_160 = arith.mulf %parallel_loop3A_131, %parallel_loop3A_159 : vector<16xf32>
      %parallel_loop3A_161 = arith.addf %parallel_loop3A_156, %parallel_loop3A_160 : vector<16xf32>
      %parallel_loop3A_162 = arith.index_cast %parallel_loop3A_117 : i32 to index
      %parallel_loop3A_163 = tpu.vector_load %arg23[%parallel_loop3A_162] {strides = array<i32>} : memref<176xf32, #tpu.memory_space<vmem>>, vector<16xf32>,
      tpu.vector_store %arg23[%parallel_loop3A_162], %parallel_loop3A_161 {strides = array<i32>} : memref<176xf32, #tpu.memory_space<vmem>>, vector<16xf32>,
      %parallel_loop3A_164 = vector.extract_strided_slice %get3A_81 {offsets = [6], sizes = [1], strides = [1]} : vector<16xf32> to vector<1xf32>
      %parallel_loop3A_165 = vector.extract %parallel_loop3A_164[0] : f32 from vector<1xf32>
      %parallel_loop3A_166 = vector.broadcast %parallel_loop3A_165 : f32 to vector<16xf32>
      %parallel_loop3A_167 = arith.mulf %parallel_loop3A_123, %parallel_loop3A_166 : vector<16xf32>
      %parallel_loop3A_168 = vector.extract_strided_slice %get3A_81 {offsets = [7], sizes = [1], strides = [1]} : vector<16xf32> to vector<1xf32>
      %parallel_loop3A_169 = vector.extract %parallel_loop3A_168[0] : f32 from vector<1xf32>
      %parallel_loop3A_170 = vector.broadcast %parallel_loop3A_169 : f32 to vector<16xf32>
      %parallel_loop3A_171 = arith.mulf %parallel_loop3A_127, %parallel_loop3A_170 : vector<16xf32>
      %parallel_loop3A_172 = arith.addf %parallel_loop3A_167, %parallel_loop3A_171 : vector<16xf32>
      %parallel_loop3A_173 = vector.extract_strided_slice %get3A_81 {offsets = [8], sizes = [1], strides = [1]} : vector<16xf32> to vector<1xf32>
      %parallel_loop3A_174 = vector.extract %parallel_loop3A_173[0] : f32 from vector<1xf32>
      %parallel_loop3A_175 = vector.broadcast %parallel_loop3A_174 : f32 to vector<16xf32>
      %parallel_loop3A_176 = arith.mulf %parallel_loop3A_131, %parallel_loop3A_175 : vector<16xf32>
      %parallel_loop3A_177 = arith.addf %parallel_loop3A_172, %parallel_loop3A_176 : vector<16xf32>
      %parallel_loop3A_178 = arith.index_cast %parallel_loop3A_117 : i32 to index
      %parallel_loop3A_179 = tpu.vector_load %arg24[%parallel_loop3A_178] {strides = array<i32>} : memref<176xf32, #tpu.memory_space<vmem>>, vector<16xf32>,
      tpu.vector_store %arg24[%parallel_loop3A_178], %parallel_loop3A_177 {strides = array<i32>} : memref<176xf32, #tpu.memory_space<vmem>>, vector<16xf32>,
    } {sc.loop_unroll_factor = 1 : i64, sc.parallel_access}
    %parallel_loop3A_107 = arith.constant 0 : i32
    %parallel_loop3A_108 = arith.constant 464 : i32
    %parallel_loop3A_109 = arith.constant 16 : i32
    scf.for %parallel_loop3A_117 = %parallel_loop3A_107 to %parallel_loop3A_108 step %parallel_loop3A_109  : i32 {
      %parallel_loop3A_118 = vector.broadcast %parallel_loop3A_117 : i32 to vector<16xi32>
      %parallel_loop3A_119 = arith.addi %iota3A, %parallel_loop3A_118 : vector<16xi32>
      %parallel_loop3A_120 = arith.constant 3 : i32
      %parallel_loop3A_121 = vector.broadcast %parallel_loop3A_120 : i32 to vector<16xi32>
      %parallel_loop3A_122 = arith.muli %parallel_loop3A_119, %parallel_loop3A_121 : vector<16xi32>
      %parallel_loop3A_123 = tpu.vector_load_idx %arg19[%parallel_loop3A_122] : memref<1392xf32, #tpu.memory_space<vmem>>[vector<16xi32>], vector<16xf32>,
      %parallel_loop3A_124 = vector.extract_strided_slice %get3A_83 {offsets = [0], sizes = [1], strides = [1]} : vector<16xf32> to vector<1xf32>
      %parallel_loop3A_125 = vector.extract %parallel_loop3A_124[0] : f32 from vector<1xf32>
      %parallel_loop3A_126 = vector.broadcast %parallel_loop3A_125 : f32 to vector<16xf32>
      %parallel_loop3A_127 = arith.mulf %parallel_loop3A_123, %parallel_loop3A_126 : vector<16xf32>
      %parallel_loop3A_128 = arith.constant 1 : i32
      %parallel_loop3A_129 = vector.broadcast %parallel_loop3A_128 : i32 to vector<16xi32>
      %parallel_loop3A_130 = arith.addi %parallel_loop3A_122, %parallel_loop3A_129 : vector<16xi32>
      %parallel_loop3A_131 = tpu.vector_load_idx %arg19[%parallel_loop3A_130] : memref<1392xf32, #tpu.memory_space<vmem>>[vector<16xi32>], vector<16xf32>,
      %parallel_loop3A_132 = vector.extract_strided_slice %get3A_83 {offsets = [1], sizes = [1], strides = [1]} : vector<16xf32> to vector<1xf32>
      %parallel_loop3A_133 = vector.extract %parallel_loop3A_132[0] : f32 from vector<1xf32>
      %parallel_loop3A_134 = vector.broadcast %parallel_loop3A_133 : f32 to vector<16xf32>
      %parallel_loop3A_135 = arith.mulf %parallel_loop3A_131, %parallel_loop3A_134 : vector<16xf32>
      %parallel_loop3A_136 = arith.addf %parallel_loop3A_127, %parallel_loop3A_135 : vector<16xf32>
      %parallel_loop3A_137 = arith.constant 2 : i32
      %parallel_loop3A_138 = vector.broadcast %parallel_loop3A_137 : i32 to vector<16xi32>
      %parallel_loop3A_139 = arith.addi %parallel_loop3A_122, %parallel_loop3A_138 : vector<16xi32>
      %parallel_loop3A_140 = tpu.vector_load_idx %arg19[%parallel_loop3A_139] : memref<1392xf32, #tpu.memory_space<vmem>>[vector<16xi32>], vector<16xf32>,
      %parallel_loop3A_141 = vector.extract_strided_slice %get3A_83 {offsets = [2], sizes = [1], strides = [1]} : vector<16xf32> to vector<1xf32>
      %parallel_loop3A_142 = vector.extract %parallel_loop3A_141[0] : f32 from vector<1xf32>
      %parallel_loop3A_143 = vector.broadcast %parallel_loop3A_142 : f32 to vector<16xf32>
      %parallel_loop3A_144 = arith.mulf %parallel_loop3A_140, %parallel_loop3A_143 : vector<16xf32>
      %parallel_loop3A_145 = arith.addf %parallel_loop3A_136, %parallel_loop3A_144 : vector<16xf32>
      %parallel_loop3A_146 = arith.index_cast %parallel_loop3A_117 : i32 to index
      %parallel_loop3A_147 = tpu.vector_load %arg25[%parallel_loop3A_146] {strides = array<i32>} : memref<464xf32, #tpu.memory_space<vmem>>, vector<16xf32>,
      tpu.vector_store %arg25[%parallel_loop3A_146], %parallel_loop3A_145 {strides = array<i32>} : memref<464xf32, #tpu.memory_space<vmem>>, vector<16xf32>,
    } {sc.loop_unroll_factor = 1 : i64, sc.parallel_access}
    %dma_wait3A_110 = tpu.memref_slice %arg2[%mul3A_4] : memref<196608xf32, #tpu.memory_space<hbm>> -> memref<6144xf32, #tpu.memory_space<hbm>>
    %dma_wait3A_111 = tpu.memref_slice %arg2[%mul3A_4] : memref<196608xf32, #tpu.memory_space<hbm>> -> memref<6144xf32, #tpu.memory_space<hbm>>
    tpu.wait_dma2 semaphore(%arg27 : memref<!tpu.dma_semaphore, #tpu.memory_space<semaphore_mem>>) src(%dma_wait3A_111 : memref<6144xf32, #tpu.memory_space<hbm>>) dst(%arg14 : memref<6144xf32, #tpu.memory_space<vmem>>)
    %dma_wait3A_112 = tpu.memref_slice %arg3[%mul3A_2] : memref<16384xf32, #tpu.memory_space<hbm>> -> memref<512xf32, #tpu.memory_space<hbm>>
    %dma_wait3A_113 = tpu.memref_slice %arg3[%mul3A_2] : memref<16384xf32, #tpu.memory_space<hbm>> -> memref<512xf32, #tpu.memory_space<hbm>>
    tpu.wait_dma2 semaphore(%arg27 : memref<!tpu.dma_semaphore, #tpu.memory_space<semaphore_mem>>) src(%dma_wait3A_113 : memref<512xf32, #tpu.memory_space<hbm>>) dst(%arg15 : memref<512xf32, #tpu.memory_space<vmem>>)
    %parallel_loop3A_114 = arith.constant 0 : i32
    %parallel_loop3A_115 = arith.constant 512 : i32
    %parallel_loop3A_116 = arith.constant 16 : i32
    scf.for %parallel_loop3A_117 = %parallel_loop3A_114 to %parallel_loop3A_115 step %parallel_loop3A_116  : i32 {
      %parallel_loop3A_118 = vector.broadcast %parallel_loop3A_117 : i32 to vector<16xi32>
      %parallel_loop3A_119 = arith.addi %iota3A, %parallel_loop3A_118 : vector<16xi32>
      %parallel_loop3A_120 = arith.constant 12 : i32
      %parallel_loop3A_121 = vector.broadcast %parallel_loop3A_120 : i32 to vector<16xi32>
      %parallel_loop3A_122 = arith.muli %parallel_loop3A_119, %parallel_loop3A_121 : vector<16xi32>
      %parallel_loop3A_123 = arith.constant 0 : i32
      %parallel_loop3A_124 = vector.broadcast %parallel_loop3A_123 : i32 to vector<16xi32>
      %parallel_loop3A_125 = arith.addi %parallel_loop3A_122, %parallel_loop3A_124 : vector<16xi32>
      %parallel_loop3A_126 = tpu.vector_load_idx %arg14[%parallel_loop3A_125] : memref<6144xf32, #tpu.memory_space<vmem>>[vector<16xi32>], vector<16xf32>,
      %parallel_loop3A_127 = arith.fptosi %parallel_loop3A_126 : vector<16xf32> to vector<16xi32>
      %parallel_loop3A_128 = tpu.vector_load_idx %arg21[%parallel_loop3A_127] : memref<16xf32, #tpu.memory_space<vmem>>[vector<16xi32>], vector<16xf32>,
      %parallel_loop3A_129 = arith.constant 1 : i32
      %parallel_loop3A_130 = vector.broadcast %parallel_loop3A_129 : i32 to vector<16xi32>
      %parallel_loop3A_131 = arith.addi %parallel_loop3A_122, %parallel_loop3A_130 : vector<16xi32>
      %parallel_loop3A_132 = tpu.vector_load_idx %arg14[%parallel_loop3A_131] : memref<6144xf32, #tpu.memory_space<vmem>>[vector<16xi32>], vector<16xf32>,
      %parallel_loop3A_133 = arith.fptosi %parallel_loop3A_132 : vector<16xf32> to vector<16xi32>
      %parallel_loop3A_134 = tpu.vector_load_idx %arg22[%parallel_loop3A_133] : memref<176xf32, #tpu.memory_space<vmem>>[vector<16xi32>], vector<16xf32>,
      %parallel_loop3A_135 = arith.addf %parallel_loop3A_128, %parallel_loop3A_134 : vector<16xf32>
      %parallel_loop3A_136 = arith.constant 2 : i32
      %parallel_loop3A_137 = vector.broadcast %parallel_loop3A_136 : i32 to vector<16xi32>
      %parallel_loop3A_138 = arith.addi %parallel_loop3A_122, %parallel_loop3A_137 : vector<16xi32>
      %parallel_loop3A_139 = tpu.vector_load_idx %arg14[%parallel_loop3A_138] : memref<6144xf32, #tpu.memory_space<vmem>>[vector<16xi32>], vector<16xf32>,
      %parallel_loop3A_140 = arith.fptosi %parallel_loop3A_139 : vector<16xf32> to vector<16xi32>
      %parallel_loop3A_141 = tpu.vector_load_idx %arg23[%parallel_loop3A_140] : memref<176xf32, #tpu.memory_space<vmem>>[vector<16xi32>], vector<16xf32>,
      %parallel_loop3A_142 = arith.addf %parallel_loop3A_135, %parallel_loop3A_141 : vector<16xf32>
      %parallel_loop3A_143 = arith.constant 3 : i32
      %parallel_loop3A_144 = vector.broadcast %parallel_loop3A_143 : i32 to vector<16xi32>
      %parallel_loop3A_145 = arith.addi %parallel_loop3A_122, %parallel_loop3A_144 : vector<16xi32>
      %parallel_loop3A_146 = tpu.vector_load_idx %arg14[%parallel_loop3A_145] : memref<6144xf32, #tpu.memory_space<vmem>>[vector<16xi32>], vector<16xf32>,
      %parallel_loop3A_147 = arith.fptosi %parallel_loop3A_146 : vector<16xf32> to vector<16xi32>
      %parallel_loop3A_148 = tpu.vector_load_idx %arg24[%parallel_loop3A_147] : memref<176xf32, #tpu.memory_space<vmem>>[vector<16xi32>], vector<16xf32>,
      %parallel_loop3A_149 = arith.addf %parallel_loop3A_142, %parallel_loop3A_148 : vector<16xf32>
      %parallel_loop3A_150 = arith.constant 4 : i32
      %parallel_loop3A_151 = vector.broadcast %parallel_loop3A_150 : i32 to vector<16xi32>
      %parallel_loop3A_152 = arith.addi %parallel_loop3A_122, %parallel_loop3A_151 : vector<16xi32>
      %parallel_loop3A_153 = tpu.vector_load_idx %arg14[%parallel_loop3A_152] : memref<6144xf32, #tpu.memory_space<vmem>>[vector<16xi32>], vector<16xf32>,
      %parallel_loop3A_154 = arith.fptosi %parallel_loop3A_153 : vector<16xf32> to vector<16xi32>
      %parallel_loop3A_155 = tpu.vector_load_idx %arg25[%parallel_loop3A_154] : memref<464xf32, #tpu.memory_space<vmem>>[vector<16xi32>], vector<16xf32>,
      %parallel_loop3A_156 = arith.addf %parallel_loop3A_149, %parallel_loop3A_155 : vector<16xf32>
      %parallel_loop3A_157 = arith.constant 5 : i32
      %parallel_loop3A_158 = vector.broadcast %parallel_loop3A_157 : i32 to vector<16xi32>
      %parallel_loop3A_159 = arith.addi %parallel_loop3A_122, %parallel_loop3A_158 : vector<16xi32>
      %parallel_loop3A_160 = tpu.vector_load_idx %arg14[%parallel_loop3A_159] : memref<6144xf32, #tpu.memory_space<vmem>>[vector<16xi32>], vector<16xf32>,
      %parallel_loop3A_161 = vector.extract_strided_slice %get3A_85 {offsets = [0], sizes = [1], strides = [1]} : vector<16xf32> to vector<1xf32>
      %parallel_loop3A_162 = vector.extract %parallel_loop3A_161[0] : f32 from vector<1xf32>
      %parallel_loop3A_163 = vector.broadcast %parallel_loop3A_162 : f32 to vector<16xf32>
      %parallel_loop3A_164 = arith.mulf %parallel_loop3A_160, %parallel_loop3A_163 : vector<16xf32>
      %parallel_loop3A_165 = arith.addf %parallel_loop3A_156, %parallel_loop3A_164 : vector<16xf32>
      %parallel_loop3A_166 = arith.constant 6 : i32
      %parallel_loop3A_167 = vector.broadcast %parallel_loop3A_166 : i32 to vector<16xi32>
      %parallel_loop3A_168 = arith.addi %parallel_loop3A_122, %parallel_loop3A_167 : vector<16xi32>
      %parallel_loop3A_169 = tpu.vector_load_idx %arg14[%parallel_loop3A_168] : memref<6144xf32, #tpu.memory_space<vmem>>[vector<16xi32>], vector<16xf32>,
      %parallel_loop3A_170 = vector.extract_strided_slice %get3A_85 {offsets = [1], sizes = [1], strides = [1]} : vector<16xf32> to vector<1xf32>
      %parallel_loop3A_171 = vector.extract %parallel_loop3A_170[0] : f32 from vector<1xf32>
      %parallel_loop3A_172 = vector.broadcast %parallel_loop3A_171 : f32 to vector<16xf32>
      %parallel_loop3A_173 = arith.mulf %parallel_loop3A_169, %parallel_loop3A_172 : vector<16xf32>
      %parallel_loop3A_174 = arith.addf %parallel_loop3A_165, %parallel_loop3A_173 : vector<16xf32>
      %parallel_loop3A_175 = arith.constant 7 : i32
      %parallel_loop3A_176 = vector.broadcast %parallel_loop3A_175 : i32 to vector<16xi32>
      %parallel_loop3A_177 = arith.addi %parallel_loop3A_122, %parallel_loop3A_176 : vector<16xi32>
      %parallel_loop3A_178 = tpu.vector_load_idx %arg14[%parallel_loop3A_177] : memref<6144xf32, #tpu.memory_space<vmem>>[vector<16xi32>], vector<16xf32>,
      %parallel_loop3A_179 = vector.extract_strided_slice %get3A_85 {offsets = [2], sizes = [1], strides = [1]} : vector<16xf32> to vector<1xf32>
      %parallel_loop3A_180 = vector.extract %parallel_loop3A_179[0] : f32 from vector<1xf32>
      %parallel_loop3A_181 = vector.broadcast %parallel_loop3A_180 : f32 to vector<16xf32>
      %parallel_loop3A_182 = arith.mulf %parallel_loop3A_178, %parallel_loop3A_181 : vector<16xf32>
      %parallel_loop3A_183 = arith.addf %parallel_loop3A_174, %parallel_loop3A_182 : vector<16xf32>
      %parallel_loop3A_184 = arith.constant 8 : i32
      %parallel_loop3A_185 = vector.broadcast %parallel_loop3A_184 : i32 to vector<16xi32>
      %parallel_loop3A_186 = arith.addi %parallel_loop3A_122, %parallel_loop3A_185 : vector<16xi32>
      %parallel_loop3A_187 = tpu.vector_load_idx %arg14[%parallel_loop3A_186] : memref<6144xf32, #tpu.memory_space<vmem>>[vector<16xi32>], vector<16xf32>,
      %parallel_loop3A_188 = vector.extract_strided_slice %get3A_85 {offsets = [3], sizes = [1], strides = [1]} : vector<16xf32> to vector<1xf32>
      %parallel_loop3A_189 = vector.extract %parallel_loop3A_188[0] : f32 from vector<1xf32>
      %parallel_loop3A_190 = vector.broadcast %parallel_loop3A_189 : f32 to vector<16xf32>
      %parallel_loop3A_191 = arith.mulf %parallel_loop3A_187, %parallel_loop3A_190 : vector<16xf32>
      %parallel_loop3A_192 = arith.addf %parallel_loop3A_183, %parallel_loop3A_191 : vector<16xf32>
      %parallel_loop3A_193 = arith.constant 9 : i32
      %parallel_loop3A_194 = vector.broadcast %parallel_loop3A_193 : i32 to vector<16xi32>
      %parallel_loop3A_195 = arith.addi %parallel_loop3A_122, %parallel_loop3A_194 : vector<16xi32>
      %parallel_loop3A_196 = tpu.vector_load_idx %arg14[%parallel_loop3A_195] : memref<6144xf32, #tpu.memory_space<vmem>>[vector<16xi32>], vector<16xf32>,
      %parallel_loop3A_197 = vector.extract_strided_slice %get3A_85 {offsets = [4], sizes = [1], strides = [1]} : vector<16xf32> to vector<1xf32>
      %parallel_loop3A_198 = vector.extract %parallel_loop3A_197[0] : f32 from vector<1xf32>
      %parallel_loop3A_199 = vector.broadcast %parallel_loop3A_198 : f32 to vector<16xf32>
      %parallel_loop3A_200 = arith.mulf %parallel_loop3A_196, %parallel_loop3A_199 : vector<16xf32>
      %parallel_loop3A_201 = arith.addf %parallel_loop3A_192, %parallel_loop3A_200 : vector<16xf32>
      %parallel_loop3A_202 = arith.constant 10 : i32
      %parallel_loop3A_203 = vector.broadcast %parallel_loop3A_202 : i32 to vector<16xi32>
      %parallel_loop3A_204 = arith.addi %parallel_loop3A_122, %parallel_loop3A_203 : vector<16xi32>
      %parallel_loop3A_205 = tpu.vector_load_idx %arg14[%parallel_loop3A_204] : memref<6144xf32, #tpu.memory_space<vmem>>[vector<16xi32>], vector<16xf32>,
      %parallel_loop3A_206 = vector.extract_strided_slice %get3A_85 {offsets = [5], sizes = [1], strides = [1]} : vector<16xf32> to vector<1xf32>
      %parallel_loop3A_207 = vector.extract %parallel_loop3A_206[0] : f32 from vector<1xf32>
      %parallel_loop3A_208 = vector.broadcast %parallel_loop3A_207 : f32 to vector<16xf32>
      %parallel_loop3A_209 = arith.mulf %parallel_loop3A_205, %parallel_loop3A_208 : vector<16xf32>
      %parallel_loop3A_210 = arith.addf %parallel_loop3A_201, %parallel_loop3A_209 : vector<16xf32>
      %parallel_loop3A_211 = arith.constant 11 : i32
      %parallel_loop3A_212 = vector.broadcast %parallel_loop3A_211 : i32 to vector<16xi32>
      %parallel_loop3A_213 = arith.addi %parallel_loop3A_122, %parallel_loop3A_212 : vector<16xi32>
      %parallel_loop3A_214 = tpu.vector_load_idx %arg14[%parallel_loop3A_213] : memref<6144xf32, #tpu.memory_space<vmem>>[vector<16xi32>], vector<16xf32>,
      %parallel_loop3A_215 = vector.extract_strided_slice %get3A_85 {offsets = [6], sizes = [1], strides = [1]} : vector<16xf32> to vector<1xf32>
      %parallel_loop3A_216 = vector.extract %parallel_loop3A_215[0] : f32 from vector<1xf32>
      %parallel_loop3A_217 = vector.broadcast %parallel_loop3A_216 : f32 to vector<16xf32>
      %parallel_loop3A_218 = arith.mulf %parallel_loop3A_214, %parallel_loop3A_217 : vector<16xf32>
      %parallel_loop3A_219 = arith.addf %parallel_loop3A_210, %parallel_loop3A_218 : vector<16xf32>
      %parallel_loop3A_220 = arith.index_cast %parallel_loop3A_117 : i32 to index
      %parallel_loop3A_221 = tpu.vector_load %arg15[%parallel_loop3A_220] {strides = array<i32>} : memref<512xf32, #tpu.memory_space<vmem>>, vector<16xf32>,
      %parallel_loop3A_222 = vector.extract_strided_slice %get3A_87 {offsets = [0], sizes = [1], strides = [1]} : vector<16xf32> to vector<1xf32>
      %parallel_loop3A_223 = vector.extract %parallel_loop3A_222[0] : f32 from vector<1xf32>
      %parallel_loop3A_224 = vector.broadcast %parallel_loop3A_223 : f32 to vector<16xf32>
      %parallel_loop3A_225 = arith.mulf %parallel_loop3A_221, %parallel_loop3A_224 : vector<16xf32>
      %parallel_loop3A_226 = arith.addf %parallel_loop3A_219, %parallel_loop3A_225 : vector<16xf32>
      %parallel_loop3A_227 = vector.extract_strided_slice %get3A_89 {offsets = [0], sizes = [1], strides = [1]} : vector<16xf32> to vector<1xf32>
      %parallel_loop3A_228 = vector.extract %parallel_loop3A_227[0] : f32 from vector<1xf32>
      %parallel_loop3A_229 = vector.broadcast %parallel_loop3A_228 : f32 to vector<16xf32>
      %parallel_loop3A_230 = arith.addf %parallel_loop3A_226, %parallel_loop3A_229 : vector<16xf32>
      %parallel_loop3A_231 = arith.index_cast %parallel_loop3A_117 : i32 to index
      %parallel_loop3A_232 = tpu.vector_load %arg16[%parallel_loop3A_231] {strides = array<i32>} : memref<512xf32, #tpu.memory_space<vmem>>, vector<16xf32>,
      tpu.vector_store %arg16[%parallel_loop3A_231], %parallel_loop3A_230 {strides = array<i32>} : memref<512xf32, #tpu.memory_space<vmem>>, vector<16xf32>,
    } {sc.loop_unroll_factor = 2 : i64, sc.parallel_access}
    "tpu.region"() ({
      %run_scoped3A = tpu.sem_alloc : memref<!tpu.dma_semaphore, #tpu.memory_space<semaphore_mem>>
      %dma_start3A_117 = tpu.memref_slice %arg13[%mul3A_2] : memref<16384xf32, #tpu.memory_space<hbm>> -> memref<512xf32, #tpu.memory_space<hbm>>
      %dma_start3A_118 = tpu.memref_slice %arg13[%mul3A_2] : memref<16384xf32, #tpu.memory_space<hbm>> -> memref<512xf32, #tpu.memory_space<hbm>>
      tpu.enqueue_dma source(%arg16 : memref<512xf32, #tpu.memory_space<vmem>>) target(%dma_start3A_118 : memref<512xf32, #tpu.memory_space<hbm>>) target_semaphore(%run_scoped3A : memref<!tpu.dma_semaphore, #tpu.memory_space<semaphore_mem>>)
      %dma_wait3A_119 = tpu.memref_slice %arg13[%mul3A_2] : memref<16384xf32, #tpu.memory_space<hbm>> -> memref<512xf32, #tpu.memory_space<hbm>>
      %dma_wait3A_120 = tpu.memref_slice %arg13[%mul3A_2] : memref<16384xf32, #tpu.memory_space<hbm>> -> memref<512xf32, #tpu.memory_space<hbm>>
      tpu.wait_dma2 semaphore(%run_scoped3A : memref<!tpu.dma_semaphore, #tpu.memory_space<semaphore_mem>>) src(%arg16 : memref<512xf32, #tpu.memory_space<vmem>>) dst(%dma_wait3A_120 : memref<512xf32, #tpu.memory_space<hbm>>)
      tpu.yield
    }) : () -> ()
    return
  }
}

</mosaic_0001>

<sc_bundles>
// kernel: _run.3.cloned.1.call-start
scs
__scs_entry_jumppad:
0x0: {  	(pc) =	sbr.rel $0x88, $3  }
0x1: {  	(tag) =	ssettag $0x0;
	lr =	simm.s32 $0x1  }
0x2: {  	[smem:$0x3F96] =	sst lr;
	_ =	strace $0xD0000000  }
0x3: {  	_ = 	snop  }
0x4: {  	_ = 	snop  }
0x5: {  	_ = 	snop  }
0x6: {  	_ = 	snop  }
0x7: {  	_ = 	snop  }
__scs_overlays_trampoline_lowered:
0x8: {  	[smem:$0x3FA5] =	sst s0  }
0x9: {  	[smem:$0x3FA6] =	sst s1  }
0xa: {  	[smem:$0x3FA7] =	sst s2  }
0xb: {  	[smem:$0x3FA8] =	sst s3  }
0xc: {  	[smem:$0x3FA9] =	sst s4  }
0xd: {  	[smem:$0x3FAA] =	sst s5  }
0xe: {  	[smem:$0x3FAB] =	sst s6  }
0xf: {  	[smem:$0x3FAC] =	sst s7  }
0x10: {  	[smem:$0x3FAD] =	sst s8  }
0x11: {  	[smem:$0x3FAE] =	sst s9;
	s0 =	simm.s32 @!p0 $0x0  }
0x12: {  	s1 =	sld [smem:$0x3F94];
	s0 =	simm.s32 @p0 $0x1  }
0x13: {  	[smem:$0x3FAF] =	sst s0;
	s0 =	simm.s32 @!p1 $0x0  }
0x14: {  	s2 =	sld [smem:$0x3F93];
	s0 =	simm.s32 @p1 $0x1  }
0x15: {  	[smem:$0x3FB0] =	sst s0;
	s0 =	simm.s32 @!p2 $0x0  }
0x16: {  	s3 =	sld [smem:$0x3FDB];
	s0 =	simm.s32 @p2 $0x1  }
0x17: {  	s4 =	simm.s32 $0x1BF5;
	[smem:$0x3FB2] =	sst s0  }
0x18: {  	s0 =	sld [smem:$0x3F95];
	_ =	swait.ge [sflag:s4], $0x0  }
0x19: {  	s7 =	sld [smem:$0x3F96]  }
0x1a: {  	s8 =	sadd.s32 $0xFFFFE003, lr  }
0x1b: {  	s9 =	sadd.s32 $0xFFFFFEF7, lr;
	s5 =	simm.s32 $0xFFFFFFFF;
	p2 =	slt.u32 s8, $0xFFFFF086  }
0x1c: {  	p1 =	slt.u32 s9, $0xF7A;
	s5 =	simm.s32 @!p2 $0x0  }
0x1d: {  	s5 =	simm.s32 @p1 $0x1;
	p0 =	seq.s32 s7, s2  }
0x1e: {  	s7 =	smul.u32 @!p0 $0xF7A, s2;
	p2 =	seq.s32 @!p0 s5, $0x0  }
0x1f: {  	s9 =	smul.u32 $0xF7A, s1;
	s8 =	simm.s32 @!p0 $0x1BF5;
	p2 =	por !p2, p0  }
0x20: {  	[sflag:s8] =	ssyncset.s32 @!p0 $0xFFFFF086;
	s6 =	sadd.s32 @!p0 s3, s7;
	s7 =	simm.s32 @!p0 $0x108  }
0x21: {  	s3 =	sadd.s32 s3, s9;
	s6 =	sadd.s32 @!p0 $0x88, s6;
	s7 =	simm.s32 @p2 $0x1082  }
0x22: {  	[simem:s7], [sflag:s8] =	dma.local @!p0 [hbm:s6], $0xF7A  }
0x23: {  	s9 =	sor.u32 $0xD0000000, s2;
	s6 =	simm.s32 $0x108;
	_ =	swait.ge @!p0 [sflag:s8], $0x0  }
0x24: {  	s3 =	sadd.s32 $0x88, s3;
	s6 =	simm.s32 @!p1 $0x1082;
	[sflag:s4] =	ssyncset.s32 $0xFFFFF086  }
0x25: {  	[simem:s6], [sflag:s4] =	dma.local [hbm:s3], $0xF7A  }
0x26: {  	[smem:$0x3F96] =	sst s1;
	(tag) =	ssettag s2;
	_ =	strace s9  }
0x27: {  	s1 =	sld [smem:$0x3FA6]  }
0x28: {  	s2 =	sld [smem:$0x3FA7]  }
0x29: {  	s4 =	sld [smem:$0x3FA9]  }
0x2a: {  	p0 =	seq.s32 s5, $0x0;
	s5 =	sld [smem:$0x3FAA]  }
0x2b: {  	s6 =	sld [smem:$0x3FAB]  }
0x2c: {  	s7 =	sld [smem:$0x3FAC]  }
0x2d: {  	s3 =	simm.s32 $0x108;
	s8 =	sld [smem:$0x3FAD]  }
0x2e: {  	s3 =	simm.s32 @!p0 $0x1082;
	s9 =	sld [smem:$0x3FAE]  }
0x2f: {  	lr =	sadd.s32 s0, s3;
	s0 =	sld [smem:$0x3FA5]  }
0x30: {  	s3 =	sld [smem:$0x3FA8]  }
0x31: {  	[smem:$0x3FB1] =	sst s10  }
0x32: {  	s10 =	sld [smem:$0x3FAF];
	_ =	sdelay $0x3  }
0x33: {  	p0 =	seq.s32 s10, $0x1;
	s10 =	sld [smem:$0x3FB1];
	_ =	sdelay $0x3  }
0x34: {  	[smem:$0x3FB1] =	sst s10  }
0x35: {  	s10 =	sld [smem:$0x3FB0];
	_ =	sdelay $0x3  }
0x36: {  	p1 =	seq.s32 s10, $0x1;
	s10 =	sld [smem:$0x3FB1];
	_ =	sdelay $0x3  }
0x37: {  	[smem:$0x3FB1] =	sst s10  }
0x38: {  	s10 =	sld [smem:$0x3FB2]  }
0x39: {  	_ = 	snop;
	(pc) =	sbr.ind lr, $3  }
0x3a: {  	_ = 	snop  }
0x3b: {  	_ = 	snop  }
0x3c: {  	p2 =	seq.s32 s10, $0x1;
	s10 =	sld [smem:$0x3FB1]  }
0x3d: {  	_ =	shalt  }
0x3e: {  	_ =	shalt  }
0x3f: {  	_ =	shalt  }
0x40: {  	_ =	shalt  }
0x41: {  	_ =	shalt  }
0x42: {  	_ =	shalt  }
0x43: {  	_ =	shalt  }
0x44: {  	_ =	shalt  }
0x45: {  	_ =	shalt  }
0x46: {  	_ =	shalt  }
0x47: {  	_ =	shalt  }
0x48: {  	_ =	shalt  }
0x49: {  	_ =	shalt  }
0x4a: {  	_ =	shalt  }
0x4b: {  	_ =	shalt  }
0x4c: {  	_ =	shalt  }
0x4d: {  	_ =	shalt  }
0x4e: {  	_ =	shalt  }
0x4f: {  	_ =	shalt  }
0x50: {  	_ =	shalt  }
0x51: {  	_ =	shalt  }
0x52: {  	_ =	shalt  }
0x53: {  	_ =	shalt  }
0x54: {  	_ =	shalt  }
0x55: {  	_ =	shalt  }
0x56: {  	_ =	shalt  }
0x57: {  	_ =	shalt  }
0x58: {  	_ =	shalt  }
0x59: {  	_ =	shalt  }
0x5a: {  	_ =	shalt  }
0x5b: {  	_ =	shalt  }
0x5c: {  	_ =	shalt  }
0x5d: {  	_ =	shalt  }
0x5e: {  	_ =	shalt  }
0x5f: {  	_ =	shalt  }
0x60: {  	_ =	shalt  }
0x61: {  	_ =	shalt  }
0x62: {  	_ =	shalt  }
0x63: {  	_ =	shalt  }
0x64: {  	_ =	shalt  }
0x65: {  	_ =	shalt  }
0x66: {  	_ =	shalt  }
0x67: {  	_ =	shalt  }
0x68: {  	_ =	shalt  }
0x69: {  	_ =	shalt  }
0x6a: {  	_ =	shalt  }
0x6b: {  	_ =	shalt  }
0x6c: {  	_ =	shalt  }
0x6d: {  	_ =	shalt  }
0x6e: {  	_ =	shalt  }
0x6f: {  	_ =	shalt  }
0x70: {  	_ =	shalt  }
0x71: {  	_ =	shalt  }
0x72: {  	_ =	shalt  }
0x73: {  	_ =	shalt  }
0x74: {  	_ =	shalt  }
0x75: {  	_ =	shalt  }
0x76: {  	_ =	shalt  }
0x77: {  	_ =	shalt  }
0x78: {  	_ =	shalt  }
0x79: {  	_ =	shalt  }
0x7a: {  	_ =	shalt  }
0x7b: {  	_ =	shalt  }
0x7c: {  	_ =	shalt  }
0x7d: {  	_ =	shalt  }
0x7e: {  	_ =	shalt  }
0x7f: {  	_ =	shalt  }
0x80: {  	_ =	shalt  }
0x81: {  	_ =	shalt  }
0x82: {  	_ =	shalt  }
0x83: {  	_ =	shalt  }
0x84: {  	_ =	shalt  }
0x85: {  	_ =	shalt  }
0x86: {  	_ =	shalt  }
0x87: {  	_ =	shalt  }
.Lfunc_end0:
.L_simem_size_0:
called_computation_lowered:
.L_overlay_start_0:
0x88: {  	s2 =	sld [smem:$0x3FD9]  }
0x89: {  	s3 =	sld [smem:$0x3FFE];
	_ =	sdelay $0x1  }
0x8a: {  	s1 =	srdreg.scid  }
0x8b: {  	s0 =	sand.u32 $0x1, s1  }
0x8c: {  	s18 =	sshll.u32 s0, $0xA;
	s2 =	sadd.s32 s3, s2  }
0x8d: {  	s2 =	sadd.s32 s2, s18  }
0x8e: {  	[smem:$0x3FBD] =	sst s2  }
0x8f: {  	_ = 	snop  }
0x90: {  	s2 =	sld [smem:$0x3FC9]  }
0x91: {  	s19 =	sld [smem:$0x3FC8]  }
0x92: {  	s4 =	sld [smem:$0x3FC7]  }
0x93: {  	s5 =	sld [smem:$0x3FC6]  }
0x94: {  	s6 =	sld [smem:$0x3FC5]  }
0x95: {  	s7 =	sld [smem:$0x3FC4]  }
0x96: {  	s8 =	sld [smem:$0x3FC3]  }
0x97: {  	s9 =	sld [smem:$0x3FC2]  }
0x98: {  	s10 =	sld [smem:$0x3FC1]  }
0x99: {  	s11 =	sld [smem:$0x3FC0]  }
0x9a: {  	s12 =	sld [smem:$0x3FBF]  }
0x9b: {  	s13 =	sld [smem:$0x3FD0];
	(tm) =	ssettm $0x1  }
0x9c: {  	s14 =	sld [smem:$0x3FFB];
	_ =	sdelay $0x3  }
0x9d: {  	_ =	strace s14  }
0x9e: {  	s14 =	sld [smem:$0x3FFC];
	_ =	sdelay $0x3  }
0x9f: {  	_ =	strace s14  }
0xa0: {  	s14 =	sld [smem:$0x3FFD];
	_ =	sdelay $0x3  }
0xa1: {  	_ =	strace s14  }
0xa2: {  	_ =	strace $0x8FFFFFFF  }
0xa3: {  	s20 =	sld [smem:$0x3FDB];
	_ =	sdelay $0x1  }
0xa4: {  	s15 =	simm.s32 $_scs_section_size  }
0xa5: {  	s16 =	simm.s32 $_size__tile_overlayer_lowered;
	s17 =	simm.s32 $_tile_overlayer_lowered  }
0xa6: {  	s23 =	simm.s32 $0x1BFF;
	s22 =	sshll.u32 s17, $0x1;
	s14 =	sadd.s32 s15, s20  }
0xa7: {  	s21 =	sshll.u32 s16, $0x1;
	s18 =	simm.s32 $0x0;
	s16 =	sadd.s32 s22, s14  }
0xa8: {  	[timem:s18], [sflag:s23] =	dma.local [hbm:s16], s21  }
0xa9: {  	_ =	swait.ge [sflag:s23], s21  }
0xaa: {  	s15 =	ssub.s32 $0x0, s21;
	[sflag:s23] =	ssyncset.done $0x0  }
0xab: {  	[sflag:s23] =	ssyncadd.s32 s15;
	_ =	sdelay $0x1  }
0xac: {  	s24 =	simm.s32 $0x1B8B  }
0xad: {  	_ =	swait.ge [sflag:s24], $0x1  }
0xae: {  	[sflag:s24] =	ssyncset.done $0x0  }
0xaf: {  	s25 =	simm.s32 $0x1B8E;
	[sflag:s24] =	ssyncadd.s32 $0xFFFFFFFF  }
0xb0: {  	s26 =	simm.s32 $execute0_lowered;
	[smem:$0x3FD2] =	sst s25  }
0xb1: {  	s15 =	sshll.u32 s26, $0x1;
	_ =	strace $0x80000046;
	[dreg:$0x1] =	wrdreg $0xFFFFFFFF  }
0xb2: {  	s28 =	simm.s32 $_size_execute0_lowered;
	s14 =	sadd.s32 s14, s15;
	[dreg:$0x0] =	wrdreg $0x0  }
0xb3: {  	s15 =	sshll.u32 s28, $0x1;
	[dreg:$0x2] =	wrdreg s14  }
0xb4: {  	[dreg:$0x3] =	wrdreg s15  }
0xb5: {  	[dreg:$0x4] =	wrdreg $0xC0  }
0xb6: {  	_ =	task [dreg:s18], $0x5FFFF  }
0xb7: {  	[dreg:$0x1] =	wrdreg $0xFFFFFFFF  }
0xb8: {  	[dreg:$0x0] =	wrdreg $0x60  }
0xb9: {  	[dreg:$0x2] =	wrdreg s2  }
0xba: {  	[dreg:$0x3] =	wrdreg s19  }
0xbb: {  	[dreg:$0x4] =	wrdreg s4  }
0xbc: {  	[dreg:$0x5] =	wrdreg s5  }
0xbd: {  	[dreg:$0x6] =	wrdreg s6  }
0xbe: {  	[dreg:$0x7] =	wrdreg s7  }
0xbf: {  	[dreg:$0x8] =	wrdreg s8  }
0xc0: {  	[dreg:$0x9] =	wrdreg s9  }
0xc1: {  	[dreg:$0xa] =	wrdreg s10  }
0xc2: {  	[dreg:$0xb] =	wrdreg s11  }
0xc3: {  	[dreg:$0xc] =	wrdreg s12  }
0xc4: {  	[dreg:$0xd] =	wrdreg s13  }
0xc5: {  	[dreg:$0xe] =	wrdreg $0x9  }
0xc6: {  	_ =	task.clear_ibuf [dreg:s18], $0xFFFFF;
	_ =	strace $0x90000046  }
0xc7: {  	s29 =	simm.s32 $0x9;
	_ =	strace $0x80000048  }
0xc8: {  	_ =	swait.ge [sflag:s29], $0x1  }
0xc9: {  	[sflag:s29] =	ssyncadd.s32 $0xFFFFFFFF  }
0xca: {  	_ =	strace $0x90000048  }
0xcb: {  	_ =	sfence  }
0xcc: {  	s30 =	sld [smem:$0x0];
	_ =	sdelay $0x2  }
0xcd: {  	s31 =	sshll.u32 s1, $0xD;
	s1 =	sshrl.u32 s1, $0x2  }
0xce: {  	s3 =	sand.u32 $0x4000, s31;
	s1 =	sadd.s32 s1, s30  }
0xcf: {  	s0 =	sor.u32 s3, s0;
	s1 =	sshll.u32 s1, $0x11  }
0xd0: {  	s0 =	sor.u32 s1, s0  }
0xd1: {  	s0 =	sadd.s32 $0x8F2B, s0  }
0xd2: {  	[sflag:s0] =	ssyncadd.remote.s32 $0x1  }
0xd3: {  	_ =	sfence.sel $0xFFFF  }
0xd4: {  	[dreg:$0x0] =	wrdreg $0xFFFFFFFF;
	(pc) =	sbr.abs _section_cstart, $3  }
0xd5: {  	[dreg:$0x1] =	wrdreg $0xFFFFFFFF  }
0xd6: {  	_ =	task.clear_ibuf [dreg:s18], $0x2FFFF;
	_ =	strace $0x9FFFFFFF  }
0xd7: {  	(tm) =	ssettm $0x7FFFFFFF  }
tec
execute0_lowered:
.L_overlay_start_1:
0x0: {  	(tag) =	ssettag $0x1  }
0x1: {  	v0 =	vlaneseq.u32  }
0x2: {  	v1 =	vimm.s32 $0x4786C60;
	v37 =	vimm.s32 $0x34281C10;
	v3 =	vimm.s32 $0x24180C00  }
0x3: {  	v4 =	vimm.s32 $0x54483C30;
	vm0 =	vcmask $0x1F10;
	v6 =	vimm.s32 $0x5796D61  }
0x4: {  	v7 =	vimm.s32 $0x55493D31;
	v39 =	vimm.s32 $0x67A6E62;
	v42 =	vimm.s32 $0x77B6F63  }
0x5: {  	v44 =	vimm.s32 $0x87C7064;
	v46 =	vimm.s32 $0x97D7165;
	v48 =	vimm.s32 $0xA7E7266  }
0x6: {  	v50 =	vimm.s32 $0xB7F7367;
	v54 =	vimm.s32 $0xC007468;
	v56 =	vimm.s32 $0x3C302418  }
0x7: {  	v57 =	vimm.s32 $0x2C201408;
	v10 =	vimm.s32 $0x2D211509;
	v12 =	vimm.s32 $0x5D514539  }
0x8: {  	v14 =	vimm.s32 $0xE02766A;
	v16 =	vimm.s32 $0x3E32261A;
	v61 =	vimm.s32 $0x2E22160A  }
0x9: {  	v62 =	vimm.s32 $0x5E52463A;
	v2 =	vmul.u32 $0x2, v0;
	v9 =	vmul.u32 $0x3, v0  }
0xa: {  	v1 =	vunpack.c.0.s8.s32 v1;
	v3 =	vunpack.c.0.s8.s32 v3;
	v5 =	vunpack.c.0.s8.s32 v4  }
0xb: {  	v7 =	vunpack.c.0.s8.s32 v7;
	v24 =	vmul.u32 $0xC, v0;
	v0 =	vunpack.c.0.s8.s32 v39  }
0xc: {  	v55 =	vunpack.c.0.s8.s32 v54;
	v10 =	vunpack.c.0.s8.s32 v10;
	v12 =	vunpack.c.0.s8.s32 v12  }
0xd: {  	v59 =	vunpack.c.0.s8.s32 v14;
	[tilespmem:$0x1FE30] =	vst v2;
	v2 =	vor.u32 $0x1, v2;
	v38 =	vsel vm0, v5, v3  }
0xe: {  	v3 =	vunpack.c.0.s8.s32 v6;
	v5 =	vimm.s32 $0x35291D11;
	v6 =	vimm.s32 $0x25190D01  }
0xf: {  	[tilespmem:$0x1FE40] =	vst v2;
	v2 =	vunpack.c.0.s8.s32 v37;
	v8 =	vunpack.c.0.s8.s32 v5;
	v6 =	vunpack.c.0.s8.s32 v6  }
0x10: {  	v14 =	vunpack.c.0.s8.s32 v16;
	v11 =	vadd.s32 $0x1, v9;
	v4 =	vadd.s32 $0x2, v9  }
0x11: {  	v1 =	vsel vm0, v2, v1;
	v40 =	vsel vm0, v8, v3;
	v41 =	vsel vm0, v7, v6  }
0x12: {  	v3 =	vimm.s32 $0x362A1E12;
	v6 =	vimm.s32 $0x261A0E02;
	v7 =	vimm.s32 $0x564A3E32  }
0x13: {  	v3 =	vunpack.c.0.s8.s32 v3;
	v6 =	vunpack.c.0.s8.s32 v6;
	v8 =	vunpack.c.0.s8.s32 v7  }
0x14: {  	s1 =	rddreg [dreg:$0x0];
	s11 =	simm.s32 $0x0;
	v27 =	vor.u32 $0x1, v24;
	v25 =	vor.u32 $0x2, v24;
	v13 =	vcombine.low v38, v1  }
0x15: {  	[smem:$0x7FF] =	sst s11;
	v1 =	vunpack.c.0.s8.s32 v42;
	v0 =	vsel vm0, v3, v0;
	v43 =	vsel vm0, v8, v6  }
0x16: {  	s0 =	rddreg [dreg:$0x1];
	v3 =	vimm.s32 $0x372B1F13;
	v6 =	vimm.s32 $0x271B0F03;
	v8 =	vimm.s32 $0x574B3F33  }
0x17: {  	s2 =	rddreg [dreg:$0xb];
	_ =	strace $0x80000047;
	[tilespmem:$0x1FE50] =	vst v9;
	v3 =	vunpack.c.0.s8.s32 v3;
	v6 =	vunpack.c.0.s8.s32 v6;
	v8 =	vunpack.c.0.s8.s32 v8  }
0x18: {  	v54 =	vadd.s32 $0xA, v24;
	v5 =	vadd.s32 $0x4, v24;
	[tilespmem:$0x1FE60] =	vst v11;
	v19 =	vcombine.low v43, v0  }
0x19: {  	[tilespmem:$0x1FE70] =	vst v4;
	v0 =	vunpack.c.0.s8.s32 v44;
	v1 =	vsel vm0, v3, v1;
	v45 =	vsel vm0, v8, v6  }
0x1a: {  	v3 =	vimm.s32 $0x382C2014;
	v6 =	vimm.s32 $0x281C1004;
	v8 =	vimm.s32 $0x584C4034  }
0x1b: {  	[tilespmem:$0x1FF00] =	vst v54;
	v3 =	vunpack.c.0.s8.s32 v3;
	v6 =	vunpack.c.0.s8.s32 v6;
	v8 =	vunpack.c.0.s8.s32 v8  }
0x1c: {  	v23 =	vor.u32 $0x3, v24;
	[tilespmem:$0x1FF70] =	vst v5;
	v2 =	vunpack.c.0.s8.s32 v57;
	v7 =	vcombine.low v45, v1  }
0x1d: {  	[tilespmem:$0x1FF90] =	vst v23;
	v1 =	vunpack.c.0.s8.s32 v46;
	v0 =	vsel vm0, v3, v0;
	v47 =	vsel vm0, v8, v6  }
0x1e: {  	v3 =	vimm.s32 $0x392D2115;
	v6 =	vimm.s32 $0x291D1105;
	v8 =	vimm.s32 $0x594D4135  }
0x1f: {  	[tilespmem:$0x1FFA0] =	vst v25;
	v3 =	vunpack.c.0.s8.s32 v3;
	v6 =	vunpack.c.0.s8.s32 v6;
	v8 =	vunpack.c.0.s8.s32 v8  }
0x20: {  	[tilespmem:$0x1FFE0] =	vst v24;
	v57 =	vadd.s32 $0xB, v24;
	v42 =	vadd.s32 $0x5, v24;
	v58 =	vcombine.low v47, v0  }
0x21: {  	[tilespmem:$0x1FFF0] =	vst v27;
	v0 =	vunpack.c.0.s8.s32 v48;
	v1 =	vsel vm0, v3, v1;
	v49 =	vsel vm0, v8, v6  }
0x22: {  	v3 =	vimm.s32 $0x3A2E2216;
	v6 =	vimm.s32 $0x2A1E1206;
	v8 =	vimm.s32 $0x5A4E4236  }
0x23: {  	[tilespmem:$0x1FF40] =	vst v57;
	v3 =	vunpack.c.0.s8.s32 v3;
	v6 =	vunpack.c.0.s8.s32 v6;
	v8 =	vunpack.c.0.s8.s32 v8  }
0x24: {  	v15 =	vcombine.low v41, v40;
	[tilespmem:$0x1FEC0] =	vst v42;
	v44 =	vadd.s32 $0x6, v24;
	v43 =	vcombine.low v49, v1  }
0x25: {  	[tilespmem:$0x1FFC0] =	vst v13;
	v1 =	vunpack.c.0.s8.s32 v50;
	v0 =	vsel vm0, v3, v0;
	v51 =	vsel vm0, v8, v6  }
0x26: {  	v3 =	vimm.s32 $0x3B2F2317;
	v6 =	vimm.s32 $0x2B1F1307;
	v8 =	vimm.s32 $0x5B4F4337  }
0x27: {  	[tilespmem:$0x1FFD0] =	vst v15;
	v3 =	vunpack.c.0.s8.s32 v3;
	v6 =	vunpack.c.0.s8.s32 v6;
	v8 =	vunpack.c.0.s8.s32 v8  }
0x28: {  	[tilespmem:$0x1FE90] =	vst v44;
	v46 =	vadd.s32 $0x7, v24;
	v48 =	vadd.s32 $0x8, v24;
	v45 =	vcombine.low v51, v0  }
0x29: {  	[tilespmem:$0x1FFB0] =	vst v19;
	v52 =	vsel vm0, v3, v1;
	v53 =	vsel vm0, v8, v6;
	v1 =	vunpack.c.0.s8.s32 v56  }
0x2a: {  	v3 =	vimm.s32 $0x5C504438;
	v6 =	vimm.s32 $0xD017569;
	v8 =	vimm.s32 $0x3D312519  }
0x2b: {  	[tilespmem:$0x1FEB0] =	vst v46;
	v3 =	vunpack.c.0.s8.s32 v3;
	v6 =	vunpack.c.0.s8.s32 v6;
	v8 =	vunpack.c.0.s8.s32 v8  }
0x2c: {  	s13 =	simm.s32 $0x1C00;
	s14 =	simm.s32 $0x1C80;
	[tilespmem:$0x1FF80] =	vst v7;
	v47 =	vcombine.low v53, v52;
	v53 =	vadd.s32 $0x9, v24;
	v0 =	vsel vm0, v1, v55  }
0x2d: {  	s15 =	simm.s32 $0x1F00;
	s18 =	simm.s32 $0x2490;
	s19 =	simm.s32 $0x24A0;
	[tilespmem:$0x1FE80] =	vst v48;
	v1 =	vunpack.c.0.s8.s32 v61;
	v2 =	vsel vm0, v3, v2;
	v3 =	vsel vm0, v8, v6  }
0x2e: {  	s3 =	srdreg.scid;
	s5 =	stileid.u32;
	s20 =	simm.s32 $0x24B0;
	[tilespmem:$0x1FF60] =	vst v58;
	v6 =	vsel vm0, v12, v10;
	v8 =	vimm.s32 $0x2F23170B;
	v10 =	vimm.s32 $0x5F53473B  }
0x2f: {  	s24 =	simm.s32 $0x24C0;
	s25 =	simm.s32 $0x24D0;
	s28 =	simm.s32 $0x2;
	[tilespmem:$0x1FED0] =	vst v43;
	v50 =	vcombine.low v2, v0;
	v51 =	vcombine.low v6, v3;
	v3 =	vimm.s32 $0xF03776B  }
0x30: {  	s29 =	simm.s32 $0x2500;
	s30 =	simm.s32 $0x2580;
	s31 =	simm.s32 $0x2680;
	[tilespmem:$0x1FEA0] =	vst v45;
	v2 =	vunpack.c.0.s8.s32 v62;
	v6 =	vimm.s32 $0x3F33271B;
	v8 =	vunpack.c.0.s8.s32 v8  }
0x31: {  	s9 =	simm.s32 $0x2780;
	s3 =	sand.u32 $0x1, s3;
	s5 =	sshll.u32 s5, $0x1;
	[tilespmem:$0x1FF50] =	vst v53;
	v10 =	vunpack.c.0.s8.s32 v10;
	v3 =	vunpack.c.0.s8.s32 v3;
	v6 =	vunpack.c.0.s8.s32 v6  }
0x32: {  	s10 =	simm.s32 $0x2880;
	s4 =	ssub.s32 $0x2, s3;
	s3 =	sor.u32 s3, s5;
	v60 =	vsel vm0, v14, v59;
	[tilespmem:$0x1FEE0] =	vst v47;
	v1 =	vsel vm0, v2, v1  }
0x33: {  	s6 =	sshrl.u32 s4, $0x1;
	s5 =	smul.u32 $0x300, s3;
	s26 =	sshll.u32 s3, $0x6;
	[tilespmem:$0x1FEF0] =	vst v51;
	v63 =	vsel vm0, v6, v3;
	v3 =	vsel vm0, v10, v8;
	v56 =	vcombine.low v1, v60  }
0x34: {  	s4 =	ssub.s32 s4, s6;
	s21 =	sadd.s32 s0, s26;
	s22 =	sadd.s32 s2, s26;
	[tilespmem:$0x1FF10] =	vst v50;
	v55 =	vcombine.low v3, v63  }
0x35: {  	s26 =	simm.s32 $0x1;
	s0 =	simm.s32 $0x1A00;
	s2 =	simm.s32 $0x0;
	[tilespmem:$0x1FF30] =	vst v56  }
0x36: {  	s17 =	sadd.s32 s1, s5;
	s23 =	smax.u32 s4, $0x1;
	s1 =	simm.s32 $0x3;
	[tilespmem:$0x1FF20] =	vst v55  }
.LBB2_1:
0x37: {  	[tilespmem:s11], [sflag:$0x2] =	stream.linear.gather [hbm4b:s17+s11], $0x1800, $0x38;
	[tilespmem:$0x2A80] =	vst v63  }
0x38: {  	s3 =	simm.s32 $0x1800  }
0x39: {  	[tilespmem:s3], [sflag:$0x2] =	stream.linear.gather [hbm4b:s21+s11], $0x200, $0x38;
	[tilespmem:$0x2A80] =	vst v63  }
0x3a: {  	s5 =	rddreg [dreg:$0x2]  }
0x3b: {  	[tilespmem:s13], [sflag:$0x1] =	stream.linear.gather [hbm4b:s5+s11], $0x8, $0x38;
	[tilespmem:$0x2A80] =	vst v63  }
0x3c: {  	s6 =	rddreg [dreg:$0x3]  }
0x3d: {  	[tilespmem:s14], [sflag:$0x1] =	stream.linear.gather [hbm4b:s6+s11], $0x1E6, $0x38;
	[tilespmem:$0x2A80] =	vst v63  }
0x3e: {  	s7 =	rddreg [dreg:$0x4]  }
0x3f: {  	[tilespmem:s15], [sflag:$0x1] =	stream.linear.gather [hbm4b:s7+s11], $0x564, $0x38;
	[tilespmem:$0x2A80] =	vst v63  }
0x40: {  	s8 =	rddreg [dreg:$0x5];
	s4 =	simm.s32 $0x2480  }
0x41: {  	[tilespmem:s4], [sflag:$0x1] =	stream.linear.gather [hbm4b:s8+s11], $0x2, $0x38;
	[tilespmem:$0x2A80] =	vst v63  }
0x42: {  	s12 =	rddreg [dreg:$0x6]  }
0x43: {  	[tilespmem:s18], [sflag:$0x1] =	stream.linear.gather [hbm4b:s12+s11], $0x9, $0x38;
	[tilespmem:$0x2A80] =	vst v63  }
0x44: {  	s16 =	rddreg [dreg:$0x7]  }
0x45: {  	[tilespmem:s19], [sflag:$0x1] =	stream.linear.gather [hbm4b:s16+s11], $0x3, $0x38;
	[tilespmem:$0x2A80] =	vst v63  }
0x46: {  	s4 =	rddreg [dreg:$0x8]  }
0x47: {  	[tilespmem:s20], [sflag:$0x1] =	stream.linear.gather [hbm4b:s4+s11], $0x7, $0x38;
	[tilespmem:$0x2A80] =	vst v63  }
0x48: {  	s5 =	rddreg [dreg:$0x9]  }
0x49: {  	[tilespmem:s24], [sflag:$0x1] =	stream.linear.gather [hbm4b:s5+s11], $0x1, $0x38;
	[tilespmem:$0x2A80] =	vst v63  }
0x4a: {  	s6 =	rddreg [dreg:$0xa]  }
0x4b: {  	[tilespmem:s25], [sflag:$0x1] =	stream.linear.gather [hbm4b:s6+s11], $0x1, $0x38;
	[tilespmem:$0x2A80] =	vst v63  }
0x4c: {  	_ =	swait.ge [sflag:s26], $0x8  }
0x4d: {  	[sflag:s26] =	ssyncset.done $0x0  }
0x4e: {  	[sflag:s26] =	ssyncadd.s32 $0xFFFFFFF8  }
0x4f: {  	_ =	swait.ge [sflag:s26], $0x1E6  }
0x50: {  	[sflag:s26] =	ssyncset.done $0x0  }
0x51: {  	[sflag:s26] =	ssyncadd.s32 $0xFFFFFE1A  }
0x52: {  	_ =	swait.ge [sflag:s26], $0x564  }
0x53: {  	[sflag:s26] =	ssyncset.done $0x0  }
0x54: {  	[sflag:s26] =	ssyncadd.s32 $0xFFFFFA9C  }
0x55: {  	_ =	swait.ge [sflag:s26], $0x2  }
0x56: {  	[sflag:s26] =	ssyncset.done $0x0  }
0x57: {  	[sflag:s26] =	ssyncadd.s32 $0xFFFFFFFE  }
0x58: {  	_ =	swait.ge [sflag:s26], $0x9  }
0x59: {  	[sflag:s26] =	ssyncset.done $0x0  }
0x5a: {  	[sflag:s26] =	ssyncadd.s32 $0xFFFFFFF7  }
0x5b: {  	_ =	swait.ge [sflag:s26], $0x3  }
0x5c: {  	[sflag:s26] =	ssyncset.done $0x0  }
0x5d: {  	[sflag:s26] =	ssyncadd.s32 $0xFFFFFFFD  }
0x5e: {  	_ =	swait.ge [sflag:s26], $0x7  }
0x5f: {  	[sflag:s26] =	ssyncset.done $0x0  }
0x60: {  	[sflag:s26] =	ssyncadd.s32 $0xFFFFFFF9  }
0x61: {  	_ =	swait.ge [sflag:s26], $0x1  }
0x62: {  	[sflag:s26] =	ssyncset.done $0x0  }
0x63: {  	[sflag:s26] =	ssyncadd.s32 $0xFFFFFFFF  }
0x64: {  	_ =	swait.ge [sflag:s26], $0x1  }
0x65: {  	v2 =	vld [tilespmem:$0x1FE30]  }
0x66: {  	v3 =	vld [tilespmem:$0x1FE40];
	_ =	sdelay $0x3  }
0x67: {  	[sflag:s26] =	ssyncset.done $0x0  }
0x68: {  	[sflag:s26] =	ssyncadd.s32 $0xFFFFFFFF  }
0x69: {  	v0 =	vld [tilespmem:$0x2480]  }
0x6a: {  	v2 =	vld.idx.msk [tilespmem:v2+s13+$0x0], $0xffff  }
0x6b: {  	v3 =	vld.idx.msk [tilespmem:v3+s13+$0x0], $0xffff;
	_ =	sdelay $0x2  }
0x6c: {  	v6 =	vbroadcast v0, $0x0;
	v0 =	vbroadcast v0, $0x1  }
0x6d: {  	v1 =	vld [tilespmem:$0x2490]  }
0x6e: {  	v2 =	vmul.f32 v2, v6;
	v0 =	vmul.f32 v3, v0  }
0x6f: {  	s8 =	simm.s32 $0x10  }
0x70: {  	v3 =	vmov s8;
	v0 =	vadd.f32 v0, v2  }
0x71: {  	s7 =	simm.s32 $0x0;
	v3 =	vmul.u32 $0x3, v3  }
0x72: {  	v34 =	vbroadcast v1, $0x0;
	v36 =	vbroadcast v1, $0x1;
	[tilespmem:$0x2500] =	vst v0;
	v0 =	vmov s7  }
0x73: {  	v40 =	vbroadcast v1, $0x2;
	v3 =	vbroadcast v3, $0x0;
	v0 =	vmul.u32 $0x3, v0  }
0x74: {  	v37 =	vbroadcast v1, $0x3;
	v39 =	vbroadcast v1, $0x4  }
0x75: {  	v32 =	vbroadcast v1, $0x5;
	v12 =	vadd.s32 v9, v3;
	v0 =	vbroadcast v0, $0x0  }
0x76: {  	v35 =	vbroadcast v1, $0x6;
	v8 =	vadd.s32 v4, v3;
	v3 =	vadd.s32 v11, v3  }
0x77: {  	v33 =	vbroadcast v1, $0x8;
	v2 =	vbroadcast v1, $0x7;
	v1 =	vadd.s32 v9, v0  }
0x78: {  	v6 =	vadd.s32 v11, v0  }
0x79: {  	v0 =	vadd.s32 v4, v0  }
0x7a: {  	v12 =	vld.idx.msk [tilespmem:v12+s14+$0x0], $0xffff  }
0x7b: {  	v3 =	vld.idx.msk [tilespmem:v3+s14+$0x0], $0xffff  }
0x7c: {  	v1 =	vld.idx.msk [tilespmem:v1+s14+$0x0], $0xffff  }
0x7d: {  	s12 =	simm.s32 $0x20;
	v6 =	vld.idx.msk [tilespmem:v6+s14+$0x0], $0xffff  }
0x7e: {  	v10 =	vmov s12;
	v0 =	vld.idx.msk [tilespmem:v0+s14+$0x0], $0xffff  }
0x7f: {  	v10 =	vmul.u32 $0x3, v10;
	_ =	sdelay $0x1  }
0x80: {  	v10 =	vbroadcast v10, $0x0;
	v28 =	vmul.f32 v12, v37  }
0x81: {  	s16 =	simm.s32 $0x30;
	v14 =	vld.idx.msk [tilespmem:v8+s14+$0x0], $0xffff;
	v41 =	vmul.f32 v3, v39;
	v8 =	vmul.f32 v1, v34  }
0x82: {  	v20 =	vmov s16;
	v16 =	vmul.f32 v6, v36;
	v18 =	vmul.f32 v0, v40  }
0x83: {  	v20 =	vmul.u32 $0x3, v20;
	v22 =	vmul.f32 v1, v37;
	v26 =	vmul.f32 v6, v39  }
0x84: {  	v21 =	vadd.s32 v4, v10;
	v1 =	vmul.f32 v1, v35;
	v6 =	vmul.f32 v6, v2  }
0x85: {  	v8 =	vadd.f32 v16, v8;
	v16 =	vadd.s32 v9, v10;
	v22 =	vadd.f32 v26, v22  }
0x86: {  	v31 =	vld [tilespmem:$0x24A0];
	v26 =	vmul.f32 v0, v32;
	v1 =	vadd.f32 v6, v1;
	v0 =	vmul.f32 v0, v33  }
0x87: {  	v29 =	vld [tilespmem:$0x24B0];
	v6 =	vadd.s32 v11, v10;
	v10 =	vbroadcast v20, $0x0;
	v8 =	vadd.f32 v18, v8  }
0x88: {  	v30 =	vld [tilespmem:$0x24C0];
	v18 =	vmul.f32 v14, v40;
	v20 =	vadd.f32 v26, v22;
	v22 =	vmul.f32 v12, v34  }
0x89: {  	v38 =	vld [tilespmem:$0x24D0];
	v26 =	vmul.f32 v3, v36;
	v1 =	vadd.f32 v0, v1;
	v12 =	vmul.f32 v12, v35  }
0x8a: {  	v3 =	vmul.f32 v3, v2;
	v0 =	vld.idx.msk [tilespmem:v21+s14+$0x0], $0xffff;
	v21 =	vadd.f32 v41, v28;
	[tilespmem:s30+$0x0] =	vst v8  }
0x8b: {  	s6 =	simm.s32 $0x40;
	v28 =	vmul.f32 v14, v33;
	v22 =	vadd.f32 v26, v22;
	[tilespmem:s31+$0x0] =	vst v20;
	v8 =	vld.idx.msk [tilespmem:v16+s14+$0x0], $0xffff  }
0x8c: {  	v26 =	vmul.f32 v14, v32;
	v20 =	vmov s6;
	v6 =	vld.idx.msk [tilespmem:v6+s14+$0x0], $0xffff;
	[tilespmem:s9+$0x0] =	vst v1;
	v1 =	vadd.s32 v4, v10  }
0x8d: {  	v18 =	vadd.f32 v18, v22;
	v22 =	vadd.f32 v3, v12;
	v12 =	vadd.s32 v9, v10  }
0x8e: {  	s4 =	simm.s32 $0x2590;
	v14 =	vadd.s32 v11, v10;
	v16 =	vmul.u32 $0x3, v20;
	v3 =	vadd.f32 v26, v21  }
0x8f: {  	s3 =	simm.s32 $0x2690;
	s5 =	simm.s32 $0x2780;
	[tilespmem:s4+$0x0] =	vst v18;
	v10 =	vadd.f32 v28, v22  }
.LBB2_2:
0x90: {  	s6 =	sadd.s32 $0x10, s6;
	v18 =	vbroadcast v16, $0x0;
	v16 =	vmul.f32 v0, v40;
	[tilespmem:s3+$0x0] =	vst v3;
	s5 =	sadd.s32 $0x10, s5;
	v3 =	vmov v8  }
0x91: {  	v26 =	vmul.f32 v6, v36;
	v20 =	vmov s6;
	v21 =	vld.idx.msk [tilespmem:v1+s14+$0x0], $0xffff;
	v22 =	vmul.f32 v3, v34;
	[tilespmem:s5+$0x0] =	vst v10  }
0x92: {  	v28 =	vmul.f32 v6, v39;
	p0 =	slt.u32 s6, $0xA0;
	v10 =	vmul.f32 v3, v37;
	v1 =	vadd.s32 v4, v18;
	v8 =	vld.idx.msk [tilespmem:v12+s14+$0x0], $0xffff  }
.Ltmp0:
0x93: {  	v3 =	vmul.f32 v3, v35;
	v22 =	vadd.f32 v26, v22;
	v26 =	vmul.f32 v6, v2;
	v6 =	vld.idx.msk [tilespmem:v14+s14+$0x0], $0xffff;
	(pc) =	sbr.rel @p0 .LBB2_2-.Ltmp0, $4  }
0x94: {  	v12 =	vadd.s32 v9, v18;
	v10 =	vadd.f32 v28, v10;
	v28 =	vmul.f32 v0, v32  }
0x95: {  	v17 =	vmul.f32 v0, v33;
	v22 =	vadd.f32 v16, v22;
	v26 =	vadd.f32 v26, v3  }
0x96: {  	s4 =	sadd.s32 $0x10, s4;
	v14 =	vadd.s32 v11, v18;
	v16 =	vmul.u32 $0x3, v20;
	v3 =	vadd.f32 v28, v10  }
0x97: {  	s3 =	sadd.s32 $0x10, s3;
	v0 =	vmov v21;
	[tilespmem:s4+$0x0] =	vst v22;
	v10 =	vadd.f32 v17, v26  }
0x98: {  	_ = 	snop  }
0x99: {  	v16 =	vbroadcast v16, $0x0  }
0x9a: {  	v22 =	vmul.f32 v8, v34  }
0x9b: {  	v26 =	vmul.f32 v6, v36;
	v28 =	vmul.f32 v8, v37;
	v21 =	vadd.s32 v9, v16  }
0x9c: {  	v12 =	vld.idx.msk [tilespmem:v12+s14+$0x0], $0xffff;
	v41 =	vmul.f32 v6, v39;
	v18 =	vadd.s32 v4, v16;
	v16 =	vadd.s32 v11, v16  }
0x9d: {  	v14 =	vld.idx.msk [tilespmem:v14+s14+$0x0], $0xffff;
	v8 =	vmul.f32 v8, v35;
	v6 =	vmul.f32 v6, v2  }
0x9e: {  	v20 =	vmul.f32 v0, v40;
	v22 =	vadd.f32 v26, v22;
	v26 =	vadd.f32 v41, v28  }
0x9f: {  	v1 =	vld.idx.msk [tilespmem:v1+s14+$0x0], $0xffff;
	v28 =	vmul.f32 v0, v32;
	v6 =	vadd.f32 v6, v8;
	v0 =	vmul.f32 v0, v33  }
0xa0: {  	v20 =	vadd.f32 v20, v22;
	v8 =	vld.idx.msk [tilespmem:v21+s14+$0x0], $0xffff  }
0xa1: {  	v0 =	vadd.f32 v0, v6;
	v22 =	vmul.f32 v12, v34;
	v6 =	vmul.f32 v12, v37;
	v16 =	vld.idx.msk [tilespmem:v16+s14+$0x0], $0xffff  }
0xa2: {  	v12 =	vmul.f32 v12, v35;
	v21 =	vadd.f32 v28, v26;
	v26 =	vmul.f32 v14, v36  }
0xa3: {  	[tilespmem:s3+$0x0] =	vst v3;
	v3 =	vmul.f32 v14, v2;
	v18 =	vld.idx.msk [tilespmem:v18+s14+$0x0], $0xffff;
	v28 =	vmul.f32 v14, v39  }
0xa4: {  	s5 =	sadd.s32 $0x10, s5;
	v14 =	vmul.f32 v1, v32;
	v22 =	vadd.f32 v26, v22;
	v26 =	vmul.f32 v1, v40  }
0xa5: {  	s4 =	sadd.s32 $0x10, s4;
	[tilespmem:s5+$0x0] =	vst v10;
	v3 =	vadd.f32 v3, v12;
	v6 =	vadd.f32 v28, v6;
	v1 =	vmul.f32 v1, v33  }
0xa6: {  	s16 =	sadd.s32 $0x10, s3;
	[tilespmem:s4+$0x0] =	vst v20;
	v10 =	vadd.f32 v26, v22;
	v12 =	vmul.f32 v8, v34;
	v20 =	vmul.f32 v16, v36  }
0xa7: {  	s5 =	sadd.s32 $0x10, s5;
	[tilespmem:s16+$0x0] =	vst v21;
	v6 =	vadd.f32 v14, v6;
	v14 =	vmul.f32 v8, v37;
	v21 =	vmul.f32 v16, v39  }
0xa8: {  	s4 =	sadd.s32 $0x10, s4;
	[tilespmem:s5+$0x0] =	vst v0;
	v22 =	vmul.f32 v18, v40;
	v0 =	vadd.f32 v20, v12  }
0xa9: {  	s3 =	sadd.s32 $0x10, s16;
	v1 =	vadd.f32 v1, v3;
	[tilespmem:s4+$0x0] =	vst v10;
	v10 =	vmul.f32 v18, v32;
	v3 =	vadd.f32 v21, v14  }
0xaa: {  	s5 =	sadd.s32 $0x10, s5;
	[tilespmem:s3+$0x0] =	vst v6;
	v0 =	vadd.f32 v22, v0  }
0xab: {  	s8 =	simm.s32 $0x10;
	s4 =	sadd.s32 $0x10, s4;
	[tilespmem:s5+$0x0] =	vst v1;
	v1 =	vadd.f32 v10, v3  }
0xac: {  	s7 =	simm.s32 $0x0;
	s3 =	sadd.s32 $0x10, s3;
	v3 =	vmov s8;
	[tilespmem:s4+$0x0] =	vst v0  }
0xad: {  	v3 =	vmul.u32 $0x3, v3;
	[tilespmem:s3+$0x0] =	vst v1;
	v1 =	vmov s7  }
0xae: {  	v8 =	vmul.f32 v8, v35;
	v1 =	vmul.u32 $0x3, v1  }
0xaf: {  	v2 =	vmul.f32 v16, v2;
	v3 =	vbroadcast v3, $0x0  }
0xb0: {  	v1 =	vbroadcast v1, $0x0  }
0xb1: {  	v2 =	vadd.f32 v2, v8;
	v6 =	vmul.f32 v18, v33;
	v12 =	vadd.s32 v9, v3  }
0xb2: {  	v8 =	vadd.s32 v9, v1  }
0xb3: {  	v0 =	vadd.f32 v6, v2;
	v10 =	vadd.s32 v11, v1  }
0xb4: {  	s6 =	sadd.s32 $0x10, s5;
	v14 =	vadd.s32 v11, v3  }
0xb5: {  	[tilespmem:s6+$0x0] =	vst v0;
	v1 =	vadd.s32 v4, v1  }
0xb6: {  	s12 =	simm.s32 $0x20;
	v12 =	vld.idx.msk [tilespmem:v12+s15+$0x0], $0xffff  }
0xb7: {  	v16 =	vmov s12;
	v8 =	vld.idx.msk [tilespmem:v8+s15+$0x0], $0xffff  }
0xb8: {  	s16 =	simm.s32 $0x30;
	v16 =	vmul.u32 $0x3, v16;
	v3 =	vadd.s32 v4, v3;
	v10 =	vld.idx.msk [tilespmem:v10+s15+$0x0], $0xffff  }
0xb9: {  	v20 =	vmov s16;
	v14 =	vld.idx.msk [tilespmem:v14+s15+$0x0], $0xffff  }
0xba: {  	v16 =	vbroadcast v16, $0x0;
	v20 =	vmul.u32 $0x3, v20;
	v1 =	vld.idx.msk [tilespmem:v1+s15+$0x0], $0xffff  }
0xbb: {  	v2 =	vbroadcast v31, $0x0;
	v6 =	vbroadcast v31, $0x1  }
0xbc: {  	v18 =	vadd.s32 v9, v16;
	v20 =	vbroadcast v20, $0x0;
	v0 =	vbroadcast v31, $0x2  }
0xbd: {  	v21 =	vadd.s32 v11, v16;
	v3 =	vld.idx.msk [tilespmem:v3+s15+$0x0], $0xffff;
	v8 =	vmul.f32 v8, v2;
	v10 =	vmul.f32 v10, v6  }
0xbe: {  	v12 =	vmul.f32 v12, v2;
	v14 =	vmul.f32 v14, v6  }
0xbf: {  	v1 =	vmul.f32 v1, v0;
	v8 =	vadd.f32 v10, v8;
	v10 =	vadd.s32 v4, v16  }
0xc0: {  	s4 =	simm.s32 $0x40;
	v22 =	vadd.f32 v14, v12  }
0xc1: {  	v12 =	vadd.s32 v9, v20;
	v16 =	vmov s4;
	v8 =	vadd.f32 v1, v8;
	v1 =	vld.idx.msk [tilespmem:v18+s15+$0x0], $0xffff  }
0xc2: {  	v26 =	vmul.f32 v3, v0;
	v3 =	vld.idx.msk [tilespmem:v21+s15+$0x0], $0xffff;
	v16 =	vmul.u32 $0x3, v16;
	v18 =	vadd.s32 v11, v20  }
0xc3: {  	s3 =	simm.s32 $0x2880  }
0xc4: {  	v14 =	vadd.s32 v4, v20;
	v16 =	vbroadcast v16, $0x0;
	[tilespmem:s3+$0x0] =	vst v8;
	v8 =	vld.idx.msk [tilespmem:v10+s15+$0x0], $0xffff;
	v10 =	vadd.f32 v26, v22  }
.LBB2_4:
0xc5: {  	s4 =	sadd.s32 $0x10, s4  }
0xc6: {  	s3 =	sadd.s32 $0x10, s3;
	v20 =	vmov v1;
	v1 =	vld.idx.msk [tilespmem:v12+s15+$0x0], $0xffff;
	v12 =	vadd.s32 v9, v16;
	p0 =	slt.u32 s4, $0x1C0  }
.Ltmp1:
0xc7: {  	v22 =	vmul.f32 v3, v6;
	v21 =	vmov s4;
	v20 =	vmul.f32 v20, v2;
	v3 =	vld.idx.msk [tilespmem:v18+s15+$0x0], $0xffff;
	[tilespmem:s3+$0x0] =	vst v10;
	(pc) =	sbr.rel @p0 .LBB2_4-.Ltmp1, $4  }
0xc8: {  	v18 =	vadd.s32 v11, v16;
	v10 =	vmul.u32 $0x3, v21  }
0xc9: {  	v21 =	vmul.f32 v8, v0;
	v20 =	vadd.f32 v22, v20;
	v8 =	vld.idx.msk [tilespmem:v14+s15+$0x0], $0xffff  }
0xca: {  	v14 =	vadd.s32 v4, v16;
	v16 =	vbroadcast v10, $0x0  }
0xcb: {  	v10 =	vadd.f32 v21, v20  }
0xcc: {  	_ = 	snop  }
0xcd: {  	v20 =	vadd.s32 v9, v16  }
0xce: {  	v21 =	vadd.s32 v11, v16;
	_ =	sdelay $0x1  }
0xcf: {  	v12 =	vld.idx.msk [tilespmem:v12+s15+$0x0], $0xffff;
	v16 =	vadd.s32 v4, v16  }
0xd0: {  	v18 =	vld.idx.msk [tilespmem:v18+s15+$0x0], $0xffff  }
0xd1: {  	v20 =	vld.idx.msk [tilespmem:v20+s15+$0x0], $0xffff  }
0xd2: {  	v21 =	vld.idx.msk [tilespmem:v21+s15+$0x0], $0xffff  }
0xd3: {  	v14 =	vld.idx.msk [tilespmem:v14+s15+$0x0], $0xffff  }
0xd4: {  	v1 =	vmul.f32 v1, v2;
	v16 =	vld.idx.msk [tilespmem:v16+s15+$0x0], $0xffff  }
0xd5: {  	v3 =	vmul.f32 v3, v6;
	v8 =	vmul.f32 v8, v0  }
0xd6: {  	v12 =	vmul.f32 v12, v2;
	v18 =	vmul.f32 v18, v6  }
0xd7: {  	v1 =	vadd.f32 v3, v1;
	v2 =	vmul.f32 v20, v2;
	v3 =	vmul.f32 v21, v6  }
0xd8: {  	v6 =	vadd.f32 v18, v12;
	v12 =	vmul.f32 v14, v0  }
0xd9: {  	s3 =	sadd.s32 $0x10, s3;
	s4 =	simm.s32 $0x10;
	v1 =	vadd.f32 v8, v1;
	v0 =	vmul.f32 v16, v0;
	v2 =	vadd.f32 v3, v2  }
0xda: {  	[tilespmem:s3+$0x0] =	vst v10;
	s3 =	sadd.s32 $0x10, s3;
	v3 =	vadd.f32 v12, v6;
	v6 =	vmov s4  }
0xdb: {  	[tilespmem:s3+$0x0] =	vst v1;
	s3 =	sadd.s32 $0x10, s3;
	v1 =	vmul.u32 $0xC, v6;
	v0 =	vadd.f32 v0, v2  }
0xdc: {  	s8 =	simm.s32 $0x0;
	[tilespmem:s3+$0x0] =	vst v3;
	s3 =	sadd.s32 $0x10, s3  }
0xdd: {  	[tilespmem:s3+$0x0] =	vst v0;
	v0 =	vbroadcast v1, $0x0;
	v1 =	vmov s8  }
0xde: {  	_ =	swait.ge [sflag:s28], $0x1800;
	v1 =	vmul.u32 $0xC, v1  }
0xdf: {  	[sflag:s28] =	ssyncset.done $0x0;
	v2 =	vadd.s32 v25, v0  }
0xe0: {  	[sflag:s28] =	ssyncadd.s32 $0xFFFFE800;
	v1 =	vbroadcast v1, $0x0  }
0xe1: {  	_ =	swait.ge [sflag:s28], $0x200  }
0xe2: {  	v3 =	vadd.s32 v24, v0;
	[sflag:s28] =	ssyncset.done $0x0;
	v6 =	vadd.s32 v24, v1  }
0xe3: {  	v8 =	vadd.s32 v5, v0;
	[sflag:s28] =	ssyncadd.s32 $0xFFFFFE00;
	v6 =	vand.u32 $0x3F80, v6  }
0xe4: {  	v2 =	vld.idx.msk [tilespmem:v2+s11+$0x0], $0xffff;
	v6 =	vor.u32 v13, v6  }
0xe5: {  	v4 =	vbroadcast v29, $0x5  }
0xe6: {  	v10 =	vadd.s32 v44, v0  }
0xe7: {  	v12 =	vadd.s32 v27, v1;
	v16 =	vadd.s32 v23, v1;
	v3 =	vld.idx.msk [tilespmem:v3+s11+$0x0], $0xffff;
	[tilespmem:$0x1FD70] =	vst v4;
	v4 =	vbroadcast v30, $0x0  }
0xe8: {  	v14 =	vadd.s32 v48, v0;
	v12 =	vand.u32 $0x3F80, v12;
	v16 =	vand.u32 $0x3F80, v16;
	v8 =	vld.idx.msk [tilespmem:v8+s11+$0x0], $0xffff  }
0xe9: {  	v12 =	vor.u32 v15, v12;
	v2 =	vtrunc.f32 v2;
	v6 =	vld.idx.msk [tilespmem:v6+s11+$0x0], $0xffff;
	[tilespmem:$0x1FD80] =	vst v4;
	v4 =	vbroadcast v38, $0x0  }
0xea: {  	v16 =	vor.u32 v7, v16;
	v2 =	vcvt.f32.s32 v2  }
0xeb: {  	[tilespmem:$0x1FD90] =	vst v4  }
0xec: {  	v18 =	vadd.s32 v53, v0;
	v10 =	vld.idx.msk [tilespmem:v10+s11+$0x0], $0xffff  }
0xed: {  	v20 =	vadd.s32 v27, v0;
	v21 =	vadd.s32 v23, v0;
	v22 =	vadd.s32 v42, v0;
	v14 =	vld.idx.msk [tilespmem:v14+s11+$0x0], $0xffff  }
0xee: {  	v26 =	vadd.s32 v46, v0;
	v38 =	vadd.s32 v57, v0;
	v0 =	vadd.s32 v54, v0;
	v12 =	vld.idx.msk [tilespmem:v12+s11+$0x0], $0xffff  }
0xef: {  	v16 =	vld.idx.msk [tilespmem:v16+s11+$0x0], $0xffff;
	[tilespmem:$0x1FE20] =	vst v0  }
0xf0: {  	v2 =	vld.idx.msk [tilespmem:v2+s31+$0x0], $0xffff  }
0xf1: {  	v34 =	vbroadcast v29, $0x0;
	v32 =	vbroadcast v29, $0x1  }
0xf2: {  	v33 =	vbroadcast v29, $0x2;
	v31 =	vbroadcast v29, $0x3;
	s12 =	simm.s32 $0x30;
	v28 =	vadd.s32 v25, v1  }
0xf3: {  	v11 =	vbroadcast v29, $0x4;
	v40 =	vmov s12;
	v28 =	vand.u32 $0x3F80, v28  }
0xf4: {  	v40 =	vmul.u32 $0xC, v40;
	v0 =	vld.idx.msk [tilespmem:v18+s11+$0x0], $0xffff;
	v18 =	vor.u32 v19, v28;
	v6 =	vtrunc.f32 v6  }
0xf5: {  	v3 =	vtrunc.f32 v3;
	v6 =	vcvt.f32.s32 v6;
	[tilespmem:$0x1FDC0] =	vst v2  }
0xf6: {  	v3 =	vcvt.f32.s32 v3;
	v4 =	vmov v48;
	v48 =	vbroadcast v40, $0x0;
	v22 =	vld.idx.msk [tilespmem:v22+s11+$0x0], $0xffff  }
0xf7: {  	v12 =	vtrunc.f32 v12;
	v16 =	vtrunc.f32 v16;
	v26 =	vld.idx.msk [tilespmem:v26+s11+$0x0], $0xffff  }
0xf8: {  	v40 =	vmul.f32 v14, v31;
	v14 =	vadd.s32 v5, v48;
	v12 =	vcvt.f32.s32 v12;
	v20 =	vld.idx.msk [tilespmem:v20+s11+$0x0], $0xffff  }
0xf9: {  	v28 =	vadd.s32 v42, v1;
	v16 =	vcvt.f32.s32 v16;
	v0 =	vmul.f32 v0, v11;
	v18 =	vld.idx.msk [tilespmem:v18+s11+$0x0], $0xffff  }
0xfa: {  	v39 =	vadd.s32 v46, v1;
	v41 =	vadd.s32 v44, v1;
	v28 =	vand.u32 $0x3F80, v28;
	v21 =	vld.idx.msk [tilespmem:v21+s11+$0x0], $0xffff  }
0xfb: {  	v62 =	vbroadcast v29, $0x6;
	v59 =	vadd.s32 v5, v1;
	v28 =	vor.u32 v43, v28;
	v6 =	vld.idx.msk [tilespmem:v6+s29+$0x0], $0xffff;
	[tilespmem:$0x1FDA0] =	vst v0  }
0xfc: {  	v41 =	vand.u32 $0x3F80, v41;
	v8 =	vtrunc.f32 v8;
	v0 =	vadd.s32 v25, v48;
	v3 =	vld.idx.msk [tilespmem:v3+s29+$0x0], $0xffff  }
0xfd: {  	v36 =	vmovc v46;
	v35 =	vmovc v42;
	v39 =	vand.u32 $0x3F80, v39;
	v8 =	vcvt.f32.s32 v8;
	v49 =	vadd.s32 v24, v48;
	v14 =	vld.idx.msk [tilespmem:v14+s11+$0x0], $0xffff  }
0xfe: {  	v30 =	vmovc v45;
	v45 =	vor.u32 v45, v41;
	v42 =	vmul.f32 v10, v32;
	v10 =	vand.u32 $0x3F80, v59;
	v12 =	vld.idx.msk [tilespmem:v12+s30+$0x0], $0xffff  }
0xff: {  	v46 =	vor.u32 v47, v39;
	v60 =	vadd.s32 v4, v1;
	v10 =	vor.u32 v58, v10;
	v39 =	vld.idx.msk [tilespmem:v16+s9+$0x0], $0xffff  }
0x100: {  	v29 =	vmovc v44;
	v61 =	vand.u32 $0x3F80, v60;
	v41 =	vmul.f32 v26, v33;
	v26 =	vld.idx.msk [tilespmem:v28+s11+$0x0], $0xffff;
	v16 =	vtrunc.f32 v18  }
0x101: {  	v37 =	vmovc v43;
	v17 =	vmovc v19;
	v19 =	vmov v15;
	v28 =	vor.u32 v50, v61;
	v0 =	vld.idx.msk [tilespmem:v0+s11+$0x0], $0xffff;
	v16 =	vcvt.f32.s32 v16  }
0x102: {  	v43 =	vmul.f32 v22, v34;
	v22 =	vadd.s32 v53, v1;
	v18 =	vld.idx.msk [tilespmem:v49+s11+$0x0], $0xffff;
	v49 =	vadd.s32 v29, v48  }
0x103: {  	v15 =	vmovc v13;
	v13 =	vmovc v54;
	v54 =	vld.idx.msk [tilespmem:v8+s10+$0x0], $0xffff;
	v20 =	vtrunc.f32 v20;
	v21 =	vtrunc.f32 v21;
	v22 =	vand.u32 $0x3F80, v22  }
0x104: {  	v10 =	vld.idx.msk [tilespmem:v10+s11+$0x0], $0xffff;
	v8 =	vcvt.f32.s32 v20;
	v52 =	vor.u32 v51, v22;
	v22 =	vadd.s32 v57, v1  }
0x105: {  	s16 =	simm.s32 $0x20;
	v20 =	vcvt.f32.s32 v21;
	v50 =	vadd.f32 v12, v6;
	v6 =	vld.idx.msk [tilespmem:v45+s11+$0x0], $0xffff;
	v21 =	vand.u32 $0x3F80, v22  }
0x106: {  	v22 =	vmov s16;
	v21 =	vor.u32 v55, v21;
	v28 =	vld.idx.msk [tilespmem:v28+s11+$0x0], $0xffff;
	[tilespmem:$0x1FDB0] =	vst v34;
	v0 =	vtrunc.f32 v0  }
0x107: {  	v55 =	vmul.f32 v26, v34;
	v0 =	vcvt.f32.s32 v0;
	v26 =	vld.idx.msk [tilespmem:v16+s31+$0x0], $0xffff;
	v16 =	vmul.u32 $0xC, v22  }
0x108: {  	v1 =	vadd.s32 v13, v1  }
0x109: {  	v2 =	vadd.s32 v35, v48;
	v1 =	vand.u32 $0x3F80, v1;
	v34 =	vld.idx.msk [tilespmem:v46+s11+$0x0], $0xffff;
	v46 =	vbroadcast v16, $0x0  }
0x10a: {  	v63 =	vadd.s32 v53, v48;
	v51 =	vor.u32 v56, v1;
	v1 =	vtrunc.f32 v18;
	v60 =	vld.idx.msk [tilespmem:v49+s11+$0x0], $0xffff  }
0x10b: {  	v14 =	vtrunc.f32 v14;
	v58 =	vcvt.f32.s32 v1;
	v1 =	vld.idx.msk [tilespmem:v8+s30+$0x0], $0xffff;
	v16 =	vadd.s32 v27, v46  }
0x10c: {  	v61 =	vadd.s32 v4, v48;
	v53 =	vcvt.f32.s32 v14;
	v18 =	vld.idx.msk [tilespmem:v21+s11+$0x0], $0xffff;
	v14 =	vand.u32 $0x3F80, v16  }
0x10d: {  	v9 =	vmov v24;
	v49 =	vld.idx.msk [tilespmem:v0+s31+$0x0], $0xffff;
	v21 =	vor.u32 v19, v14;
	v14 =	vadd.s32 v25, v46  }
0x10e: {  	v8 =	vtrunc.f32 v10;
	v10 =	vadd.s32 v9, v46;
	v0 =	vand.u32 $0x3F80, v14;
	v14 =	vld.idx.msk [tilespmem:v2+s11+$0x0], $0xffff  }
0x10f: {  	v59 =	vadd.s32 v36, v48;
	v10 =	vand.u32 $0x3F80, v10;
	v2 =	vld [tilespmem:$0x1FDC0]  }
0x110: {  	v10 =	vor.u32 v15, v10  }
0x111: {  	v61 =	vld.idx.msk [tilespmem:v61+s11+$0x0], $0xffff;
	v12 =	vcvt.f32.s32 v8  }
0x112: {  	v24 =	vmov v47;
	v56 =	vld.idx.msk [tilespmem:v63+s11+$0x0], $0xffff;
	v1 =	vadd.f32 v1, v3  }
0x113: {  	v47 =	vadd.s32 v27, v48;
	v44 =	vadd.s32 v23, v48;
	v45 =	vadd.s32 v57, v48;
	v20 =	vld.idx.msk [tilespmem:v20+s9+$0x0], $0xffff  }
0x114: {  	v22 =	vadd.s32 v35, v46;
	v1 =	vadd.f32 v2, v1;
	v2 =	vld.idx.msk [tilespmem:v59+s11+$0x0], $0xffff;
	[tilespmem:$0x1FDD0] =	vst v32  }
0x115: {  	v57 =	vadd.s32 v13, v48;
	v48 =	vmul.f32 v28, v31;
	v22 =	vand.u32 $0x3F80, v22;
	v28 =	vld.idx.msk [tilespmem:v10+s11+$0x0], $0xffff  }
0x116: {  	v16 =	vadd.s32 v23, v46;
	v10 =	vor.u32 v37, v22;
	v22 =	vld.idx.msk [tilespmem:v21+s11+$0x0], $0xffff;
	[tilespmem:$0x1FDE0] =	vst v62  }
0x117: {  	v26 =	vadd.f32 v26, v50;
	v16 =	vand.u32 $0x3F80, v16;
	v50 =	vmul.f32 v18, v62;
	v18 =	vld.idx.msk [tilespmem:v12+s10+$0x0], $0xffff  }
0x118: {  	v8 =	vor.u32 v7, v16;
	v12 =	vadd.s32 v4, v46;
	v4 =	vld [tilespmem:$0x1FE20];
	_ =	sdelay $0x1  }
0x119: {  	v63 =	vadd.s32 v29, v46  }
0x11a: {  	s5 =	simm.s32 $0x1810;
	v21 =	vand.u32 $0x3F80, v63  }
0x11b: {  	v6 =	vmul.f32 v6, v32;
	v56 =	vmul.f32 v56, v11;
	v63 =	vor.u32 v30, v21;
	v21 =	vld [tilespmem:s5+$0xFFFFFFF0]  }
0x11c: {  	v3 =	vadd.s32 v36, v46;
	v20 =	vadd.f32 v20, v1;
	v1 =	vld.idx.msk [tilespmem:v8+s11+$0x0], $0xffff;
	[tilespmem:$0x1FDF0] =	vst v11  }
0x11d: {  	v61 =	vmul.f32 v61, v31;
	v3 =	vand.u32 $0x3F80, v3;
	v16 =	vadd.s32 v5, v46;
	[tilespmem:$0x1FE00] =	vst v33  }
0x11e: {  	s7 =	simm.s32 $0x40;
	v26 =	vadd.f32 v39, v26;
	v59 =	vor.u32 v24, v3;
	v3 =	vor.u32 v17, v0;
	[tilespmem:$0x1FE10] =	vst v31  }
0x11f: {  	s6 =	simm.s32 $0x1810;
	s4 =	simm.s32 $0x1A30;
	s3 =	simm.s32 $0x1A10;
	v0 =	vmul.f32 v34, v33;
	v12 =	vand.u32 $0x3F80, v12;
	v2 =	vmul.f32 v2, v33;
	v8 =	vld.idx.msk [tilespmem:v4+s11+$0x0], $0xffff  }
.LBB2_6:
0x120: {  	v52 =	vld.idx.msk [tilespmem:v52+s11+$0x0], $0xffff  }
0x121: {  	v19 =	vld [tilespmem:$0x1FF50]  }
0x122: {  	v23 =	vld [tilespmem:$0x1FD80]  }
0x123: {  	v34 =	vld [tilespmem:$0x1FDD0]  }
0x124: {  	v27 =	vld [tilespmem:$0x1FFA0]  }
0x125: {  	s16 =	sadd.s32 $0x10, s7;
	v25 =	vld [tilespmem:$0x1FF70]  }
0x126: {  	v33 =	vld [tilespmem:$0x1FD70];
	v37 =	vmov s16  }
0x127: {  	v28 =	vtrunc.f32 v28;
	v36 =	vld [tilespmem:$0x1FDF0];
	v39 =	vmul.u32 $0xC, v37  }
0x128: {  	v29 =	vld [tilespmem:$0x1FF60];
	v28 =	vcvt.f32.s32 v28;
	v22 =	vtrunc.f32 v22  }
0x129: {  	v20 =	vadd.f32 v54, v20;
	v54 =	vld.idx.msk [tilespmem:v38+s11+$0x0], $0xffff;
	v7 =	vbroadcast v39, $0x0;
	v22 =	vcvt.f32.s32 v22  }
0x12a: {  	v38 =	vld [tilespmem:$0x1FFE0];
	v18 =	vadd.f32 v18, v26  }
0x12b: {  	v4 =	vmovc v57;
	v26 =	vld.idx.msk [tilespmem:v51+s11+$0x0], $0xffff;
	v1 =	vtrunc.f32 v1;
	v57 =	vmul.f32 v60, v34;
	v60 =	vadd.s32 v27, v7  }
0x12c: {  	v16 =	vand.u32 $0x3F80, v16;
	v51 =	vld [tilespmem:s6+$0x0];
	v1 =	vcvt.f32.s32 v1  }
0x12d: {  	v16 =	vor.u32 v29, v16;
	v29 =	vld [tilespmem:$0x1FF00]  }
0x12e: {  	v20 =	vadd.f32 v43, v20;
	v28 =	vld.idx.msk [tilespmem:v28+s29+$0x0], $0xffff  }
0x12f: {  	v22 =	vld.idx.msk [tilespmem:v22+s30+$0x0], $0xffff  }
0x130: {  	v20 =	vadd.f32 v42, v20;
	v18 =	vadd.f32 v55, v18;
	v42 =	vmov v57;
	v57 =	vld.idx.msk [tilespmem:v60+s11+$0x0], $0xffff  }
0x131: {  	v60 =	vld [tilespmem:$0x1FEF0]  }
0x132: {  	v11 =	vmul.f32 v8, v33;
	v6 =	vadd.f32 v6, v18;
	v18 =	vadd.s32 v25, v7;
	v8 =	vld.idx.msk [tilespmem:v1+s9+$0x0], $0xffff  }
0x133: {  	[tilespmem:$0x1FD60] =	vst v4;
	v4 =	vadd.s32 v19, v46;
	v1 =	vld [tilespmem:$0x1FF10]  }
0x134: {  	v0 =	vadd.f32 v0, v6;
	v6 =	vmul.f32 v26, v33;
	v26 =	vadd.f32 v22, v28;
	v28 =	vld [tilespmem:$0x1FF30]  }
0x135: {  	v4 =	vand.u32 $0x3F80, v4  }
0x136: {  	v9 =	vld.idx.msk [tilespmem:v58+s29+$0x0], $0xffff;
	v58 =	vmul.f32 v52, v36;
	v52 =	vor.u32 v60, v4  }
0x137: {  	v4 =	vld.idx.msk [tilespmem:v18+s11+$0x0], $0xffff;
	v18 =	vadd.f32 v41, v20;
	v41 =	vmov v2;
	v2 =	vadd.s32 v29, v46  }
0x138: {  	v39 =	vmov v45;
	v45 =	vadd.s32 v38, v7;
	v55 =	vld.idx.msk [tilespmem:v44+s11+$0x0], $0xffff;
	v2 =	vand.u32 $0x3F80, v2  }
0x139: {  	v1 =	vor.u32 v1, v12;
	v12 =	vmul.f32 v51, v23;
	v51 =	vor.u32 v28, v2;
	v28 =	vld [tilespmem:$0x1FF40];
	_ =	sdelay $0x2  }
0x13a: {  	v30 =	vld [tilespmem:$0x1FDB0]  }
0x13b: {  	v21 =	vmul.f32 v21, v23;
	v23 =	vld.idx.msk [tilespmem:v45+s11+$0x0], $0xffff;
	v45 =	vtrunc.f32 v55  }
0x13c: {  	v20 =	vcvt.f32.s32 v45;
	v2 =	vadd.s32 v28, v46;
	v45 =	vadd.s32 v28, v7;
	v28 =	vld [tilespmem:$0x1FF20]  }
0x13d: {  	v5 =	vld.idx.msk [tilespmem:v47+s11+$0x0], $0xffff  }
0x13e: {  	v3 =	vld.idx.msk [tilespmem:v3+s11+$0x0], $0xffff  }
0x13f: {  	v62 =	vld [tilespmem:$0x1FFF0]  }
0x140: {  	v24 =	vld [tilespmem:$0x1FF90];
	v2 =	vand.u32 $0x3F80, v2  }
0x141: {  	v2 =	vor.u32 v28, v2;
	v28 =	vld [tilespmem:$0x1FDA0]  }
0x142: {  	v31 =	vld [tilespmem:$0x1FE80]  }
0x143: {  	v32 =	vld [tilespmem:$0x1FEC0]  }
0x144: {  	v33 =	vld [tilespmem:$0x1FDE0];
	v0 =	vadd.f32 v48, v0;
	v18 =	vadd.f32 v40, v18  }
0x145: {  	v10 =	vld.idx.msk [tilespmem:v10+s11+$0x0], $0xffff  }
0x146: {  	s8 =	smov.u32 s7;
	v35 =	vld [tilespmem:$0x1FEB0];
	v0 =	vadd.f32 v58, v0;
	v18 =	vadd.f32 v28, v18;
	v28 =	vmov v56  }
0x147: {  	v17 =	vadd.s32 v31, v7;
	v16 =	vld.idx.msk [tilespmem:v16+s11+$0x0], $0xffff;
	[tilespmem:$0x1FDA0] =	vst v28;
	v28 =	vmov s8  }
0x148: {  	v37 =	vld [tilespmem:$0x1FE90];
	v3 =	vtrunc.f32 v3;
	v0 =	vadd.f32 v6, v0;
	v6 =	vmul.u32 $0xC, v28  }
0x149: {  	v5 =	vtrunc.f32 v5;
	v22 =	vmul.f32 v54, v33;
	v54 =	vld.idx.msk [tilespmem:v53+s10+$0x0], $0xffff;
	v11 =	vadd.f32 v11, v18  }
0x14a: {  	v3 =	vcvt.f32.s32 v3;
	v40 =	vmov v61;
	v61 =	vld [tilespmem:$0x1FE10];
	v46 =	vbroadcast v6, $0x0  }
0x14b: {  	v5 =	vcvt.f32.s32 v5;
	v1 =	vld.idx.msk [tilespmem:v1+s11+$0x0], $0xffff;
	v4 =	vtrunc.f32 v4;
	v11 =	vadd.f32 v22, v11  }
0x14c: {  	v53 =	vcvt.f32.s32 v4;
	v4 =	vld.idx.msk [tilespmem:v17+s11+$0x0], $0xffff;
	v6 =	vtrunc.f32 v16;
	v16 =	vadd.s32 v62, v46  }
0x14d: {  	v11 =	vadd.f32 v12, v11;
	v12 =	vand.u32 $0x3F80, v16;
	v16 =	vld [tilespmem:$0x1FFC0]  }
0x14e: {  	v17 =	vld.idx.msk [tilespmem:v20+s9+$0x0], $0xffff  }
0x14f: {  	v14 =	vmul.f32 v14, v30;
	v47 =	vadd.s32 v62, v7;
	v20 =	vld [tilespmem:$0x1FD90]  }
0x150: {  	v3 =	vld.idx.msk [tilespmem:v3+s31+$0x0], $0xffff;
	v0 =	vadd.f32 v50, v0;
	v48 =	vmul.f32 v1, v61;
	v1 =	vadd.s32 v38, v46  }
0x151: {  	v44 =	vadd.s32 v24, v7;
	v15 =	vadd.s32 v35, v7;
	v5 =	vld.idx.msk [tilespmem:v5+s30+$0x0], $0xffff;
	v1 =	vand.u32 $0x3F80, v1  }
0x152: {  	v55 =	vmul.f32 v10, v30;
	v10 =	vld.idx.msk [tilespmem:v63+s11+$0x0], $0xffff;
	v0 =	vadd.f32 v21, v0;
	v1 =	vor.u32 v16, v1  }
0x153: {  	v19 =	vadd.s32 v19, v7;
	v43 =	vmov v14;
	v14 =	vadd.s32 v32, v7;
	v2 =	vld.idx.msk [tilespmem:v2+s11+$0x0], $0xffff  }
0x154: {  	v13 =	vadd.s32 v37, v7;
	v23 =	vtrunc.f32 v23;
	v0 =	vadd.f32 v0, v20;
	v16 =	vld [tilespmem:$0x1FFD0]  }
0x155: {  	v58 =	vcvt.f32.s32 v23;
	v23 =	vtrunc.f32 v57;
	v57 =	vadd.s32 v29, v7;
	v7 =	vld.idx.msk [tilespmem:v59+s11+$0x0], $0xffff  }
0x156: {  	v5 =	vadd.f32 v5, v9;
	[tilespmem:s3+$0xFFFFFFF0] =	vst v0;
	v0 =	vld [tilespmem:$0x1FF80]  }
0x157: {  	v28 =	vld.idx.msk [tilespmem:v1+s11+$0x0], $0xffff  }
0x158: {  	v18 =	vcvt.f32.s32 v6;
	v50 =	vmul.f32 v2, v33;
	v2 =	vadd.f32 v49, v5;
	v1 =	vld [tilespmem:$0x1FED0]  }
0x159: {  	v6 =	vadd.s32 v27, v46;
	v12 =	vor.u32 v16, v12;
	v16 =	vadd.s32 v24, v46  }
0x15a: {  	v5 =	vld [tilespmem:$0x1FEA0];
	v11 =	vadd.f32 v11, v20;
	v20 =	vand.u32 $0x3F80, v6;
	v6 =	vand.u32 $0x3F80, v16  }
0x15b: {  	v60 =	vld.idx.msk [tilespmem:v13+s11+$0x0], $0xffff;
	v13 =	vcvt.f32.s32 v23;
	v23 =	vor.u32 v0, v6;
	v0 =	vadd.s32 v32, v46  }
0x15c: {  	v0 =	vand.u32 $0x3F80, v0  }
0x15d: {  	v6 =	vmul.f32 v10, v34;
	v10 =	vor.u32 v1, v0;
	v0 =	vadd.s32 v37, v46  }
0x15e: {  	v19 =	vld.idx.msk [tilespmem:v19+s11+$0x0], $0xffff;
	v0 =	vand.u32 $0x3F80, v0  }
0x15f: {  	v63 =	vor.u32 v5, v0;
	v0 =	vld [tilespmem:$0x1FEE0]  }
0x160: {  	v14 =	vld.idx.msk [tilespmem:v14+s11+$0x0], $0xffff  }
0x161: {  	v61 =	vmul.f32 v4, v61;
	v4 =	vld [tilespmem:$0x1FD60]  }
0x162: {  	v13 =	vld.idx.msk [tilespmem:v13+s31+$0x0], $0xffff;
	v21 =	vadd.s32 v35, v46;
	[tilespmem:s3+$0x0] =	vst v11  }
0x163: {  	v11 =	vld.idx.msk [tilespmem:v15+s11+$0x0], $0xffff;
	v1 =	vand.u32 $0x3F80, v21  }
0x164: {  	v59 =	vor.u32 v0, v1;
	v0 =	vld [tilespmem:$0x1FFB0]  }
0x165: {  	p0 =	slt.u32 s7, $0x1E0;
	v15 =	vld [tilespmem:$0x1FE00]  }
.Ltmp2:
0x166: {  	v18 =	vld.idx.msk [tilespmem:v18+s10+$0x0], $0xffff;
	(pc) =	sbr.rel @p0 .LBB2_6-.Ltmp2, $4  }
0x167: {  	s5 =	sadd.s32 $0x20, s5;
	v22 =	vld.idx.msk [tilespmem:v12+s11+$0x0], $0xffff;
	v5 =	vadd.f32 v3, v26  }
0x168: {  	s12 =	sadd.s32 $0x20, s7;
	v56 =	vmul.f32 v19, v36;
	v49 =	vmovc v13;
	v9 =	vadd.s32 v31, v46;
	v16 =	vadd.s32 v25, v46;
	v21 =	vld [tilespmem:s5+$0xFFFFFFF0]  }
0x169: {  	s7 =	smov.u32 s12;
	v38 =	vmovc v39;
	v12 =	vand.u32 $0x3F80, v9;
	v26 =	vadd.f32 v8, v5;
	v8 =	vld.idx.msk [tilespmem:v4+s11+$0x0], $0xffff;
	v3 =	vor.u32 v0, v20  }
0x16a: {  	s6 =	smov.u32 s5;
	s3 =	smov.u32 s4;
	s4 =	sadd.s32 $0x20, s4;
	v1 =	vld.idx.msk [tilespmem:v23+s11+$0x0], $0xffff;
	v0 =	vmul.f32 v7, v15;
	v20 =	vadd.f32 v17, v2;
	v2 =	vmul.f32 v11, v15  }
0x16b: {  	_ =	sdelay $0x3  }
0x16c: {  	v5 =	vld.idx.msk [tilespmem:v47+s11+$0x0], $0xffff  }
0x16d: {  	v33 =	vld [tilespmem:$0x1FF60]  }
0x16e: {  	v3 =	vld.idx.msk [tilespmem:v3+s11+$0x0], $0xffff  }
0x16f: {  	v11 =	vld.idx.msk [tilespmem:v44+s11+$0x0], $0xffff  }
0x170: {  	v13 =	vld.idx.msk [tilespmem:v58+s29+$0x0], $0xffff  }
0x171: {  	v10 =	vld.idx.msk [tilespmem:v10+s11+$0x0], $0xffff  }
0x172: {  	v7 =	vtrunc.f32 v28;
	v28 =	vld [tilespmem:$0x1FDB0]  }
0x173: {  	v32 =	vld [tilespmem:$0x1FF50]  }
0x174: {  	v4 =	vand.u32 $0x3F80, v16;
	v23 =	vld [tilespmem:$0x1FDD0]  }
0x175: {  	v29 =	vld [tilespmem:$0x1FF10];
	v7 =	vcvt.f32.s32 v7;
	v9 =	vtrunc.f32 v22;
	v4 =	vor.u32 v33, v4  }
0x176: {  	v19 =	vld.idx.msk [tilespmem:v63+s11+$0x0], $0xffff;
	v9 =	vcvt.f32.s32 v9;
	v5 =	vtrunc.f32 v5  }
0x177: {  	v16 =	vadd.f32 v18, v26;
	v26 =	vld [tilespmem:$0x1FEF0];
	v5 =	vcvt.f32.s32 v5  }
0x178: {  	v30 =	vld [tilespmem:$0x1FF30]  }
0x179: {  	v31 =	vld [tilespmem:$0x1FF40];
	v3 =	vtrunc.f32 v3  }
0x17a: {  	v11 =	vtrunc.f32 v11;
	v3 =	vcvt.f32.s32 v3;
	v4 =	vld.idx.msk [tilespmem:v4+s11+$0x0], $0xffff  }
0x17b: {  	v1 =	vtrunc.f32 v1;
	v11 =	vcvt.f32.s32 v11;
	v7 =	vld.idx.msk [tilespmem:v7+s29+$0x0], $0xffff  }
0x17c: {  	v1 =	vcvt.f32.s32 v1;
	v9 =	vld.idx.msk [tilespmem:v9+s30+$0x0], $0xffff  }
0x17d: {  	v5 =	vld.idx.msk [tilespmem:v5+s30+$0x0], $0xffff  }
0x17e: {  	v22 =	vld [tilespmem:$0x1FD80]  }
0x17f: {  	v18 =	vadd.f32 v54, v20;
	v54 =	vld [tilespmem:$0x1FF00];
	v4 =	vtrunc.f32 v4  }
0x180: {  	v3 =	vld.idx.msk [tilespmem:v3+s31+$0x0], $0xffff;
	v4 =	vcvt.f32.s32 v4  }
0x181: {  	v7 =	vadd.f32 v9, v7;
	v9 =	vld.idx.msk [tilespmem:v11+s9+$0x0], $0xffff  }
0x182: {  	v1 =	vld.idx.msk [tilespmem:v1+s9+$0x0], $0xffff;
	v5 =	vadd.f32 v5, v13  }
0x183: {  	v13 =	vadd.f32 v43, v18;
	v18 =	vld.idx.msk [tilespmem:v53+s10+$0x0], $0xffff  }
0x184: {  	v20 =	vld.idx.msk [tilespmem:v52+s11+$0x0], $0xffff;
	v16 =	vadd.f32 v55, v16;
	v15 =	vadd.s32 v32, v46;
	v5 =	vadd.f32 v49, v5  }
0x185: {  	v12 =	vor.u32 v29, v12;
	v17 =	vmul.f32 v21, v22;
	v21 =	vld [tilespmem:$0x1FD70];
	v3 =	vadd.f32 v3, v7  }
0x186: {  	v7 =	vand.u32 $0x3F80, v15;
	v15 =	vadd.s32 v54, v46;
	v5 =	vadd.f32 v9, v5;
	v4 =	vld.idx.msk [tilespmem:v4+s10+$0x0], $0xffff  }
0x187: {  	v55 =	vld [tilespmem:$0x1FF20];
	v15 =	vand.u32 $0x3F80, v15;
	v1 =	vadd.f32 v1, v3;
	v3 =	vadd.f32 v6, v16  }
0x188: {  	v14 =	vmul.f32 v14, v28;
	v6 =	vor.u32 v30, v15;
	v15 =	vld.idx.msk [tilespmem:v59+s11+$0x0], $0xffff;
	v5 =	vadd.f32 v18, v5  }
0x189: {  	v7 =	vor.u32 v26, v7;
	v0 =	vadd.f32 v0, v3;
	v3 =	vld [tilespmem:$0x1FE00]  }
0x18a: {  	v11 =	vmul.f32 v60, v23;
	v18 =	vmul.f32 v19, v23;
	v19 =	vld [tilespmem:$0x1FDF0];
	v5 =	vadd.f32 v14, v5  }
0x18b: {  	v1 =	vadd.f32 v4, v1;
	v4 =	vmul.f32 v8, v21;
	v8 =	vld.idx.msk [tilespmem:v12+s11+$0x0], $0xffff  }
0x18c: {  	v10 =	vmul.f32 v10, v28;
	v5 =	vadd.f32 v11, v5;
	v11 =	vld [tilespmem:$0x1FE10];
	_ =	sdelay $0x1  }
0x18d: {  	v16 =	vadd.s32 v31, v46;
	v7 =	vld.idx.msk [tilespmem:v7+s11+$0x0], $0xffff;
	v1 =	vadd.f32 v10, v1  }
0x18e: {  	v3 =	vmul.f32 v15, v3;
	v15 =	vld [tilespmem:$0x1FDE0];
	v12 =	vand.u32 $0x3F80, v16  }
0x18f: {  	v0 =	vadd.f32 v48, v0;
	v16 =	vld.idx.msk [tilespmem:v51+s11+$0x0], $0xffff;
	v12 =	vor.u32 v55, v12;
	v1 =	vadd.f32 v18, v1  }
0x190: {  	v10 =	vadd.f32 v42, v13;
	v13 =	vmul.f32 v20, v19;
	v8 =	vmul.f32 v8, v11;
	v11 =	vld.idx.msk [tilespmem:v57+s11+$0x0], $0xffff  }
0x191: {  	v2 =	vadd.f32 v2, v5;
	v5 =	vld.idx.msk [tilespmem:v45+s11+$0x0], $0xffff;
	v1 =	vadd.f32 v3, v1  }
0x192: {  	v10 =	vadd.f32 v41, v10;
	v0 =	vadd.f32 v13, v0;
	v13 =	vld [tilespmem:$0x1FDA0]  }
0x193: {  	v6 =	vld.idx.msk [tilespmem:v6+s11+$0x0], $0xffff;
	v7 =	vmul.f32 v7, v19;
	v2 =	vadd.f32 v61, v2;
	v1 =	vadd.f32 v8, v1  }
0x194: {  	v14 =	vld.idx.msk [tilespmem:v38+s11+$0x0], $0xffff;
	v10 =	vadd.f32 v40, v10  }
0x195: {  	v12 =	vld.idx.msk [tilespmem:v12+s11+$0x0], $0xffff;
	v2 =	vadd.f32 v56, v2;
	v1 =	vadd.f32 v7, v1;
	v7 =	vmul.f32 v11, v21  }
0x196: {  	s5 =	sadd.s32 $0x20, s5;
	v9 =	vld [tilespmem:s6+$0x0];
	v3 =	vmul.f32 v16, v21  }
0x197: {  	v5 =	vmul.f32 v5, v15;
	v10 =	vadd.f32 v13, v10;
	v13 =	vld [tilespmem:s5+$0xFFFFFFF0];
	v2 =	vadd.f32 v7, v2  }
0x198: {  	v6 =	vmul.f32 v6, v21;
	v0 =	vadd.f32 v3, v0;
	v3 =	vld [tilespmem:s5+$0x0]  }
0x199: {  	v8 =	vmul.f32 v14, v15;
	v4 =	vadd.f32 v4, v10;
	v2 =	vadd.f32 v5, v2;
	v5 =	vld [tilespmem:$0x1FD90]  }
0x19a: {  	v0 =	vadd.f32 v50, v0;
	v10 =	vmul.f32 v12, v15;
	v1 =	vadd.f32 v6, v1  }
0x19b: {  	v9 =	vmul.f32 v9, v22;
	v4 =	vadd.f32 v8, v4  }
0x19c: {  	v0 =	vadd.f32 v17, v0;
	v6 =	vmul.f32 v13, v22;
	v1 =	vadd.f32 v10, v1  }
0x19d: {  	v3 =	vmul.f32 v3, v22;
	v4 =	vadd.f32 v9, v4  }
0x19e: {  	v1 =	vadd.f32 v6, v1;
	v0 =	vadd.f32 v0, v5  }
0x19f: {  	v2 =	vadd.f32 v3, v2;
	v4 =	vadd.f32 v4, v5  }
0x1a0: {  	v62 =	vadd.f32 v1, v5;
	[tilespmem:s3+$0xFFFFFFF0] =	vst v0  }
0x1a1: {  	v63 =	vadd.f32 v2, v5;
	[tilespmem:s3+$0x0] =	vst v4  }
0x1a2: {  	[tilespmem:s4+$0xFFFFFFF0] =	vst v62  }
0x1a3: {  	[tilespmem:s4+$0x0] =	vst v63  }
0x1a4: {  	[hbm4b:s22+s11] =	stream.linear.scatter [tilespmem:s0], [sflag:$0x3], $0x200, $0x38;
	[tilespmem:$0x2A80] =	vst v63  }
0x1a5: {  	_ =	swait.ge [sflag:s1], $0x200  }
0x1a6: {  	v9 =	vld [tilespmem:$0x1FE50]  }
0x1a7: {  	v11 =	vld [tilespmem:$0x1FE60]  }
0x1a8: {  	v4 =	vld [tilespmem:$0x1FE70]  }
0x1a9: {  	v24 =	vld [tilespmem:$0x1FFE0]  }
0x1aa: {  	v13 =	vld [tilespmem:$0x1FFC0]  }
0x1ab: {  	v27 =	vld [tilespmem:$0x1FFF0]  }
0x1ac: {  	v15 =	vld [tilespmem:$0x1FFD0]  }
0x1ad: {  	v25 =	vld [tilespmem:$0x1FFA0]  }
0x1ae: {  	v19 =	vld [tilespmem:$0x1FFB0]  }
0x1af: {  	v23 =	vld [tilespmem:$0x1FF90]  }
0x1b0: {  	v7 =	vld [tilespmem:$0x1FF80]  }
0x1b1: {  	v5 =	vld [tilespmem:$0x1FF70]  }
0x1b2: {  	s2 =	sadd.s32 $0x1, s2;
	v42 =	vld [tilespmem:$0x1FEC0]  }
0x1b3: {  	p0 =	sne.s32 s2, s23;
	v43 =	vld [tilespmem:$0x1FED0]  }
.Ltmp3:
0x1b4: {  	v44 =	vld [tilespmem:$0x1FE90];
	(pc) =	sbr.rel @p0 .LBB2_1-.Ltmp3, $4  }
0x1b5: {  	v45 =	vld [tilespmem:$0x1FEA0]  }
0x1b6: {  	v46 =	vld [tilespmem:$0x1FEB0]  }
0x1b7: {  	v58 =	vmov v33;
	[sflag:s1] =	ssyncset.done $0x0;
	v47 =	vld [tilespmem:$0x1FEE0]  }
0x1b8: {  	v53 =	vmovc v32;
	v51 =	vmovc v26;
	v57 =	vmov v31;
	v56 =	vmov v30;
	v50 =	vmov v29;
	v48 =	vld [tilespmem:$0x1FE80];
	[sflag:s1] =	ssyncadd.s32 $0xFFFFFE00  }
0x1b9: {  	_ =	sfence.sel $0x180000  }
0x1ba: {  	[bflag:$0x0] =	sbarrier.arrive $0xFFFF  }
0x1bb: {  	_ =	strace $0x90000047  }
0x1bc: {  	s0 =	stileid.u32;
	[bflag:$0x2] =	sbarrier.arrive $0xFFFF  }
0x1bd: {  	p0 =	sne.s32 s0, $0x0;
	s0 =	rddreg [dreg:$0xc]  }
0x1be: {  	s0 =	sadd.s32 @!p0 $0x100000, s0  }
0x1bf: {  	[sflag:s0] =	ssyncadd.tile.s32 @!p0 $0x1;
	_ =	shalt  }
.Lfunc_end2:
_tile_overlayer_lowered:
.L_overlay_start_2:
0x1c0: {  	(tag) =	ssettag $0x2  }
0x1c1: {  	s0 =	rddreg [dreg:$0x0];
	s2 =	stileid.u32  }
0x1c2: {  	s1 =	rddreg [dreg:$0x1];
	p0 =	sne.s32 s2, $0x0  }
0x1c3: {  	s3 =	rddreg [dreg:$0x2];
	[bflag:$0x3] =	sbarrier.arrive $0xFFFF;
	s2 =	simm.s32 @!p0 $0x1C03  }
0x1c4: {  	[timem:s3], [sflag:s2] =	dma.local @!p0 [hbm:s0], s1  }
0x1c5: {  	s0 =	simm.s32 @!p0 $0x3  }
0x1c6: {  	_ =	swait.ge @!p0 [sflag:s0], s1  }
0x1c7: {  	s1 =	ssub.s32 @!p0 $0x0, s1;
	[sflag:s0] =	ssyncset.done @!p0 $0x0  }
0x1c8: {  	[sflag:s0] =	ssyncadd.s32 @!p0 s1  }
0x1c9: {  	[bflag:$0x3] =	sbarrier.arrive $0xFFFF  }
0x1ca: {  	_ =	shalt  }

</sc_bundles>
